<compile_context>
chip_gen: v7x
topology: tpu7x:2x2x1
jax: 0.10.2.dev20260603
libtpu: 0.0.44.dev20260713+nightly
codegen_flags: <defaults>
</compile_context>

<pallas_src>
import functools

import jax
import jax.numpy as jnp
from jax import lax
from jax.experimental import pallas as pl
from jax.experimental.pallas import tpu as pltpu
from jax.experimental.pallas import tpu_sc as plsc

BN = 4096

NC = 2
NS = 16
NW = NC * NS
CH = 128


def _vq_body(x_ref, et_ref, cnt_ref, idx_ref, idxo_ref, ncnt_ref):
    nb = pl.program_id(0)
    G = et_ref.shape[0]
    D = et_ref.shape[1]
    K = et_ref.shape[2]
    BNr = x_ref.shape[0]
    ones_row = jnp.ones((1, BNr), dtype=jnp.float32)
    idx_cols = []
    idxo_cols = []
    cnt_rows = []
    for g in range(G):
        xg = x_ref[:, g * D:(g + 1) * D]
        et = et_ref[g]
        x_sq = jnp.sum(xg * xg, axis=-1, keepdims=True)
        e_sq = jnp.sum(et * et, axis=0, keepdims=True)
        cross = jnp.dot(xg, et,
                        preferred_element_type=jnp.float32)
        d2 = (x_sq - 2.0 * cross) + e_sq
        idxc = jnp.argmin(d2, axis=-1, keepdims=True)
        kiota = jax.lax.broadcasted_iota(jnp.int32, d2.shape, 1)
        onehot = jnp.where(kiota == idxc, 1.0, 0.0)
        cnt = jnp.dot(ones_row, onehot,
                      preferred_element_type=jnp.float32)
        idx_cols.append(idxc)
        idxo_cols.append(idxc + g * K)
        cnt_rows.append(cnt)
    idx_ref[...] = jnp.concatenate(idx_cols, axis=1)
    idxo_ref[...] = jnp.concatenate(idxo_cols, axis=1)
    contrib = jnp.concatenate(cnt_rows, axis=0)

    @pl.when(nb == 0)
    def _():
        ncnt_ref[...] = cnt_ref[...] + contrib

    @pl.when(nb > 0)
    def _():
        ncnt_ref[...] = ncnt_ref[...] + contrib


def _gather_body(bpw, nch, table_hbm, idx_hbm, out_hbm, idx_v, rows_v, sem):
    wid = lax.axis_index("s") * NC + lax.axis_index("c")
    pltpu.sync_copy(idx_hbm.at[wid], idx_v)
    copies = []
    for j in range(nch):
        copies.append(
            pltpu.async_copy(table_hbm.at[idx_v.at[j]],
                             rows_v.at[pl.ds(j * CH, CH)], sem))
    for cp in copies:
        cp.wait()
    pltpu.sync_copy(rows_v, out_hbm.at[pl.ds(wid * bpw, bpw)])


def kernel(x, embeddings, count):
    BS, TPD, D = x.shape
    G, K, _ = embeddings.shape
    N = BS * TPD // G
    x2d = x.reshape(N, G * D)
    e_t = embeddings.transpose(0, 2, 1)
    grid = (N // BN,)
    idx_all, idx_off, ncnt = pl.pallas_call(
        _vq_body,
        grid=grid,
        in_specs=[
            pl.BlockSpec((BN, G * D), lambda i: (i, 0)),
            pl.BlockSpec((G, D, K), lambda i: (0, 0, 0)),
            pl.BlockSpec((G, K), lambda i: (0, 0)),
        ],
        out_specs=[
            pl.BlockSpec((BN, G), lambda i: (i, 0)),
            pl.BlockSpec((BN, G), lambda i: (i, 0)),
            pl.BlockSpec((G, K), lambda i: (0, 0)),
        ],
        out_shape=[
            jax.ShapeDtypeStruct((N, G), jnp.int32),
            jax.ShapeDtypeStruct((N, G), jnp.int32),
            jax.ShapeDtypeStruct((G, K), jnp.float32),
        ],
        compiler_params=pltpu.CompilerParams(
            dimension_semantics=("arbitrary",)),
    )(x2d, e_t, count)

    B = N * G
    bpw = B // NW
    nch = bpw // CH
    table = embeddings.reshape(G * K, D)
    idx3 = idx_off.reshape(NW, nch, CH)
    mesh = plsc.VectorSubcoreMesh(core_axis_name="c", subcore_axis_name="s")
    xq_flat = pl.kernel(
        functools.partial(_gather_body, bpw, nch),
        out_type=jax.ShapeDtypeStruct((B, D), jnp.float32),
        mesh=mesh,
        scratch_types=[
            pltpu.VMEM((nch, CH), jnp.int32),
            pltpu.VMEM((bpw, D), jnp.float32),
            pltpu.SemaphoreType.DMA,
        ],
        compiler_params=pltpu.CompilerParams(use_tc_tiling_on_sc=False),
    )(table, idx3)
    return xq_flat.reshape(BS, TPD, D), idx_all, ncnt

# --- scband reference (transcript-rebuilt; emitter-appended) ---
"""Pipeline reference for scband-quantizer-24653112279399 (READ-ONLY COPY).

The authoritative reference and input builder live on the scoring server;
editing this copy changes nothing except your own understanding.
"""

import jax, jax.numpy as jnp
import numpy as np

BS = 16384
TPD = 4
CODE_DIM = 32
NUM_CODE = 512
NUM_GROUP = 4


def setup_inputs(seed: int = 0) -> dict:
    key = jax.random.key(seed)
    k1, k2 = jax.random.split(key)
    x = jax.random.normal(k1, (BS, TPD, CODE_DIM), dtype=jnp.float32)
    embeddings = jax.random.normal(k2, (NUM_GROUP, NUM_CODE, CODE_DIM), dtype=jnp.float32)
    count = jnp.zeros((NUM_GROUP, NUM_CODE), dtype=jnp.float32)
    return {"x": x, "embeddings": embeddings, "count": count}


def reference(x, embeddings, count):
    # x: (BS, TPD, D); embeddings: (G, K, D); count: (G, K)
    BS_, TPD_, D = x.shape
    G, K, _ = embeddings.shape
    # x.view(-1, num_group, code_dim).permute(1, 0, 2) -> (G, N, D)
    xg = x.reshape(-1, G, D).transpose(1, 0, 2)
    N = xg.shape[1]
    # cdist per group via ||x||^2 - 2 x.e + ||e||^2 (vmapped find_nearest)
    x_sq = jnp.sum(xg * xg, axis=-1, keepdims=True)          # (G, N, 1)
    e_sq = jnp.sum(embeddings * embeddings, axis=-1)          # (G, K)
    cross = jnp.einsum('gnd,gkd->gnk', xg, embeddings)        # (G, N, K)
    dist2 = jnp.maximum(x_sq - 2.0 * cross + e_sq[:, None, :], 0.0)
    dist = jnp.sqrt(dist2)
    min_dist = jnp.min(dist, axis=-1)                         # (G, N) (discarded by torch forward)
    indices = jnp.argmin(dist, axis=-1)                       # (G, N)
    # count.scatter_add_(dim=-1, index=indices, src=ones)
    new_count = jax.vmap(lambda c, idx: c.at[idx].add(1.0))(count, indices)
    # indices.permute(1, 0) + index_offset, gather flattened codebook
    indices_t = indices.transpose(1, 0)                       # (N, G)
    index_offset = jnp.arange(G, dtype=indices_t.dtype) * K   # [0, K, 2K, 3K]
    idx_flat = (indices_t + index_offset[None, :]).reshape(-1)
    x_quant = embeddings.reshape(-1, D)[idx_flat].reshape(BS_, TPD_, D)
    indices_out = indices_t.reshape(BS_, -1)
    return (x_quant, indices_out, new_count)

if __name__ == "__main__":
    import jax
    _d = setup_inputs()
    print(jax.jit(kernel)(*tuple(_d.values())))

</pallas_src>

<mosaic_0001>
#map = affine_map<(d0, d1) -> (0, 0)>
#map1 = affine_map<(d0, d1) -> (0, 0, 0)>
module attributes {stable_mosaic.version = 14 : i64} {
  func.func @_gather_body(%arg0: i32, %arg1: i32, %arg2: memref<2048x32xf32, #tpu.memory_space<hbm>>, %arg3: memref<32x16x128xi32, #tpu.memory_space<hbm>>, %arg4: memref<65536x32xf32, #tpu.memory_space<hbm>>, %arg5: memref<16x128xi32, #tpu.memory_space<vmem>>, %arg6: memref<2048x32xf32, #tpu.memory_space<vmem>>, %arg7: memref<!tpu.dma_semaphore, #tpu.memory_space<semaphore_mem>>) attributes {dimension_semantics = [#tpu.dimension_semantics<core_parallel>, #tpu.dimension_semantics<subcore_parallel>], iteration_bounds = array<i64: 2, 16>, scalar_prefetch = 0 : i64, scratch_operands = 3 : i64, tpu.core_type = #tpu.core_type<sc_vector_subcore>, window_params = [{transform_indices = #map}, {transform_indices = #map1}, {transform_indices = #map}]} {
    %mul3A = arith.constant 2 : i32
    %mul3A_0 = arith.muli %arg1, %mul3A : i32
    %add3A = arith.addi %mul3A_0, %arg0 : i32
    "tpu.region"() ({
      %run_scoped3A = tpu.sem_alloc : memref<!tpu.dma_semaphore, #tpu.memory_space<semaphore_mem>>
      %dma_start3A_321 = arith.constant 0 : i32
      %dma_start3A_322 = arith.constant 0 : i32
      %dma_start3A_323 = tpu.memref_slice %arg3[%add3A, %dma_start3A_321, %dma_start3A_322] : memref<32x16x128xi32, #tpu.memory_space<hbm>> -> memref<1x16x128xi32, #tpu.memory_space<hbm>>
      %dma_start3A_324 = tpu.memref_squeeze %dma_start3A_323 : memref<1x16x128xi32, #tpu.memory_space<hbm>> -> memref<16x128xi32, #tpu.memory_space<hbm>>
      %dma_start3A_325 = arith.constant 0 : i32
      %dma_start3A_326 = arith.constant 0 : i32
      %dma_start3A_327 = tpu.memref_slice %arg3[%add3A, %dma_start3A_325, %dma_start3A_326] : memref<32x16x128xi32, #tpu.memory_space<hbm>> -> memref<1x16x128xi32, #tpu.memory_space<hbm>>
      %dma_start3A_328 = tpu.memref_squeeze %dma_start3A_327 : memref<1x16x128xi32, #tpu.memory_space<hbm>> -> memref<16x128xi32, #tpu.memory_space<hbm>>
      tpu.enqueue_dma source(%dma_start3A_328 : memref<16x128xi32, #tpu.memory_space<hbm>>) target(%arg5 : memref<16x128xi32, #tpu.memory_space<vmem>>) target_semaphore(%run_scoped3A : memref<!tpu.dma_semaphore, #tpu.memory_space<semaphore_mem>>)
      %dma_wait3A_329 = arith.constant 0 : i32
      %dma_wait3A_330 = arith.constant 0 : i32
      %dma_wait3A_331 = tpu.memref_slice %arg3[%add3A, %dma_wait3A_329, %dma_wait3A_330] : memref<32x16x128xi32, #tpu.memory_space<hbm>> -> memref<1x16x128xi32, #tpu.memory_space<hbm>>
      %dma_wait3A_332 = tpu.memref_squeeze %dma_wait3A_331 : memref<1x16x128xi32, #tpu.memory_space<hbm>> -> memref<16x128xi32, #tpu.memory_space<hbm>>
      %dma_wait3A_333 = arith.constant 0 : i32
      %dma_wait3A_334 = arith.constant 0 : i32
      %dma_wait3A_335 = tpu.memref_slice %arg3[%add3A, %dma_wait3A_333, %dma_wait3A_334] : memref<32x16x128xi32, #tpu.memory_space<hbm>> -> memref<1x16x128xi32, #tpu.memory_space<hbm>>
      %dma_wait3A_336 = tpu.memref_squeeze %dma_wait3A_335 : memref<1x16x128xi32, #tpu.memory_space<hbm>> -> memref<16x128xi32, #tpu.memory_space<hbm>>
      tpu.wait_dma2 semaphore(%run_scoped3A : memref<!tpu.dma_semaphore, #tpu.memory_space<semaphore_mem>>) src(%dma_wait3A_336 : memref<16x128xi32, #tpu.memory_space<hbm>>) dst(%arg5 : memref<16x128xi32, #tpu.memory_space<vmem>>)
      tpu.yield
    }) : () -> ()
    %dma_start3A = arith.constant 0 : i32
    %dma_start3A_1 = arith.constant 0 : i32
    %dma_start3A_2 = arith.constant 0 : i32
    %dma_start3A_3 = tpu.memref_slice %arg6[%dma_start3A_1, %dma_start3A_2] : memref<2048x32xf32, #tpu.memory_space<vmem>> -> memref<128x32xf32, #tpu.memory_space<vmem>>
    %dma_start3A_4 = arith.constant 0 : i32
    %dma_start3A_5 = tpu.memref_slice %arg5[%dma_start3A, %dma_start3A_4] : memref<16x128xi32, #tpu.memory_space<vmem>> -> memref<1x128xi32, #tpu.memory_space<vmem>>
    %dma_start3A_6 = tpu.memref_squeeze %dma_start3A_5 : memref<1x128xi32, #tpu.memory_space<vmem>> -> memref<128xi32, #tpu.memory_space<vmem>>
    %dma_start3A_7 = arith.constant 0 : i32
    %dma_start3A_8 = arith.constant 0 : i32
    %dma_start3A_9 = tpu.memref_slice %arg2[%dma_start3A_7, %dma_start3A_8] : memref<2048x32xf32, #tpu.memory_space<hbm>> -> memref<2048x32xf32, #tpu.memory_space<hbm>>
    tpu.enqueue_indirect_dma source(%dma_start3A_9 : memref<2048x32xf32, #tpu.memory_space<hbm>>) target(%dma_start3A_3 : memref<128x32xf32, #tpu.memory_space<vmem>>) offsets(%dma_start3A_6 : memref<128xi32, #tpu.memory_space<vmem>>) semaphore(%arg7 : memref<!tpu.dma_semaphore, #tpu.memory_space<semaphore_mem>>)
    %dma_start3A_10 = arith.constant 1 : i32
    %dma_start3A_11 = arith.constant 128 : i32
    %dma_start3A_12 = arith.constant 0 : i32
    %dma_start3A_13 = tpu.memref_slice %arg6[%dma_start3A_11, %dma_start3A_12] : memref<2048x32xf32, #tpu.memory_space<vmem>> -> memref<128x32xf32, #tpu.memory_space<vmem>>
    %dma_start3A_14 = arith.constant 0 : i32
    %dma_start3A_15 = tpu.memref_slice %arg5[%dma_start3A_10, %dma_start3A_14] : memref<16x128xi32, #tpu.memory_space<vmem>> -> memref<1x128xi32, #tpu.memory_space<vmem>>
    %dma_start3A_16 = tpu.memref_squeeze %dma_start3A_15 : memref<1x128xi32, #tpu.memory_space<vmem>> -> memref<128xi32, #tpu.memory_space<vmem>>
    %dma_start3A_17 = arith.constant 0 : i32
    %dma_start3A_18 = arith.constant 0 : i32
    %dma_start3A_19 = tpu.memref_slice %arg2[%dma_start3A_17, %dma_start3A_18] : memref<2048x32xf32, #tpu.memory_space<hbm>> -> memref<2048x32xf32, #tpu.memory_space<hbm>>
    tpu.enqueue_indirect_dma source(%dma_start3A_19 : memref<2048x32xf32, #tpu.memory_space<hbm>>) target(%dma_start3A_13 : memref<128x32xf32, #tpu.memory_space<vmem>>) offsets(%dma_start3A_16 : memref<128xi32, #tpu.memory_space<vmem>>) semaphore(%arg7 : memref<!tpu.dma_semaphore, #tpu.memory_space<semaphore_mem>>)
    %dma_start3A_20 = arith.constant 2 : i32
    %dma_start3A_21 = arith.constant 256 : i32
    %dma_start3A_22 = arith.constant 0 : i32
    %dma_start3A_23 = tpu.memref_slice %arg6[%dma_start3A_21, %dma_start3A_22] : memref<2048x32xf32, #tpu.memory_space<vmem>> -> memref<128x32xf32, #tpu.memory_space<vmem>>
    %dma_start3A_24 = arith.constant 0 : i32
    %dma_start3A_25 = tpu.memref_slice %arg5[%dma_start3A_20, %dma_start3A_24] : memref<16x128xi32, #tpu.memory_space<vmem>> -> memref<1x128xi32, #tpu.memory_space<vmem>>
    %dma_start3A_26 = tpu.memref_squeeze %dma_start3A_25 : memref<1x128xi32, #tpu.memory_space<vmem>> -> memref<128xi32, #tpu.memory_space<vmem>>
    %dma_start3A_27 = arith.constant 0 : i32
    %dma_start3A_28 = arith.constant 0 : i32
    %dma_start3A_29 = tpu.memref_slice %arg2[%dma_start3A_27, %dma_start3A_28] : memref<2048x32xf32, #tpu.memory_space<hbm>> -> memref<2048x32xf32, #tpu.memory_space<hbm>>
    tpu.enqueue_indirect_dma source(%dma_start3A_29 : memref<2048x32xf32, #tpu.memory_space<hbm>>) target(%dma_start3A_23 : memref<128x32xf32, #tpu.memory_space<vmem>>) offsets(%dma_start3A_26 : memref<128xi32, #tpu.memory_space<vmem>>) semaphore(%arg7 : memref<!tpu.dma_semaphore, #tpu.memory_space<semaphore_mem>>)
    %dma_start3A_30 = arith.constant 3 : i32
    %dma_start3A_31 = arith.constant 384 : i32
    %dma_start3A_32 = arith.constant 0 : i32
    %dma_start3A_33 = tpu.memref_slice %arg6[%dma_start3A_31, %dma_start3A_32] : memref<2048x32xf32, #tpu.memory_space<vmem>> -> memref<128x32xf32, #tpu.memory_space<vmem>>
    %dma_start3A_34 = arith.constant 0 : i32
    %dma_start3A_35 = tpu.memref_slice %arg5[%dma_start3A_30, %dma_start3A_34] : memref<16x128xi32, #tpu.memory_space<vmem>> -> memref<1x128xi32, #tpu.memory_space<vmem>>
    %dma_start3A_36 = tpu.memref_squeeze %dma_start3A_35 : memref<1x128xi32, #tpu.memory_space<vmem>> -> memref<128xi32, #tpu.memory_space<vmem>>
    %dma_start3A_37 = arith.constant 0 : i32
    %dma_start3A_38 = arith.constant 0 : i32
    %dma_start3A_39 = tpu.memref_slice %arg2[%dma_start3A_37, %dma_start3A_38] : memref<2048x32xf32, #tpu.memory_space<hbm>> -> memref<2048x32xf32, #tpu.memory_space<hbm>>
    tpu.enqueue_indirect_dma source(%dma_start3A_39 : memref<2048x32xf32, #tpu.memory_space<hbm>>) target(%dma_start3A_33 : memref<128x32xf32, #tpu.memory_space<vmem>>) offsets(%dma_start3A_36 : memref<128xi32, #tpu.memory_space<vmem>>) semaphore(%arg7 : memref<!tpu.dma_semaphore, #tpu.memory_space<semaphore_mem>>)
    %dma_start3A_40 = arith.constant 4 : i32
    %dma_start3A_41 = arith.constant 512 : i32
    %dma_start3A_42 = arith.constant 0 : i32
    %dma_start3A_43 = tpu.memref_slice %arg6[%dma_start3A_41, %dma_start3A_42] : memref<2048x32xf32, #tpu.memory_space<vmem>> -> memref<128x32xf32, #tpu.memory_space<vmem>>
    %dma_start3A_44 = arith.constant 0 : i32
    %dma_start3A_45 = tpu.memref_slice %arg5[%dma_start3A_40, %dma_start3A_44] : memref<16x128xi32, #tpu.memory_space<vmem>> -> memref<1x128xi32, #tpu.memory_space<vmem>>
    %dma_start3A_46 = tpu.memref_squeeze %dma_start3A_45 : memref<1x128xi32, #tpu.memory_space<vmem>> -> memref<128xi32, #tpu.memory_space<vmem>>
    %dma_start3A_47 = arith.constant 0 : i32
    %dma_start3A_48 = arith.constant 0 : i32
    %dma_start3A_49 = tpu.memref_slice %arg2[%dma_start3A_47, %dma_start3A_48] : memref<2048x32xf32, #tpu.memory_space<hbm>> -> memref<2048x32xf32, #tpu.memory_space<hbm>>
    tpu.enqueue_indirect_dma source(%dma_start3A_49 : memref<2048x32xf32, #tpu.memory_space<hbm>>) target(%dma_start3A_43 : memref<128x32xf32, #tpu.memory_space<vmem>>) offsets(%dma_start3A_46 : memref<128xi32, #tpu.memory_space<vmem>>) semaphore(%arg7 : memref<!tpu.dma_semaphore, #tpu.memory_space<semaphore_mem>>)
    %dma_start3A_50 = arith.constant 5 : i32
    %dma_start3A_51 = arith.constant 640 : i32
    %dma_start3A_52 = arith.constant 0 : i32
    %dma_start3A_53 = tpu.memref_slice %arg6[%dma_start3A_51, %dma_start3A_52] : memref<2048x32xf32, #tpu.memory_space<vmem>> -> memref<128x32xf32, #tpu.memory_space<vmem>>
    %dma_start3A_54 = arith.constant 0 : i32
    %dma_start3A_55 = tpu.memref_slice %arg5[%dma_start3A_50, %dma_start3A_54] : memref<16x128xi32, #tpu.memory_space<vmem>> -> memref<1x128xi32, #tpu.memory_space<vmem>>
    %dma_start3A_56 = tpu.memref_squeeze %dma_start3A_55 : memref<1x128xi32, #tpu.memory_space<vmem>> -> memref<128xi32, #tpu.memory_space<vmem>>
    %dma_start3A_57 = arith.constant 0 : i32
    %dma_start3A_58 = arith.constant 0 : i32
    %dma_start3A_59 = tpu.memref_slice %arg2[%dma_start3A_57, %dma_start3A_58] : memref<2048x32xf32, #tpu.memory_space<hbm>> -> memref<2048x32xf32, #tpu.memory_space<hbm>>
    tpu.enqueue_indirect_dma source(%dma_start3A_59 : memref<2048x32xf32, #tpu.memory_space<hbm>>) target(%dma_start3A_53 : memref<128x32xf32, #tpu.memory_space<vmem>>) offsets(%dma_start3A_56 : memref<128xi32, #tpu.memory_space<vmem>>) semaphore(%arg7 : memref<!tpu.dma_semaphore, #tpu.memory_space<semaphore_mem>>)
    %dma_start3A_60 = arith.constant 6 : i32
    %dma_start3A_61 = arith.constant 768 : i32
    %dma_start3A_62 = arith.constant 0 : i32
    %dma_start3A_63 = tpu.memref_slice %arg6[%dma_start3A_61, %dma_start3A_62] : memref<2048x32xf32, #tpu.memory_space<vmem>> -> memref<128x32xf32, #tpu.memory_space<vmem>>
    %dma_start3A_64 = arith.constant 0 : i32
    %dma_start3A_65 = tpu.memref_slice %arg5[%dma_start3A_60, %dma_start3A_64] : memref<16x128xi32, #tpu.memory_space<vmem>> -> memref<1x128xi32, #tpu.memory_space<vmem>>
    %dma_start3A_66 = tpu.memref_squeeze %dma_start3A_65 : memref<1x128xi32, #tpu.memory_space<vmem>> -> memref<128xi32, #tpu.memory_space<vmem>>
    %dma_start3A_67 = arith.constant 0 : i32
    %dma_start3A_68 = arith.constant 0 : i32
    %dma_start3A_69 = tpu.memref_slice %arg2[%dma_start3A_67, %dma_start3A_68] : memref<2048x32xf32, #tpu.memory_space<hbm>> -> memref<2048x32xf32, #tpu.memory_space<hbm>>
    tpu.enqueue_indirect_dma source(%dma_start3A_69 : memref<2048x32xf32, #tpu.memory_space<hbm>>) target(%dma_start3A_63 : memref<128x32xf32, #tpu.memory_space<vmem>>) offsets(%dma_start3A_66 : memref<128xi32, #tpu.memory_space<vmem>>) semaphore(%arg7 : memref<!tpu.dma_semaphore, #tpu.memory_space<semaphore_mem>>)
    %dma_start3A_70 = arith.constant 7 : i32
    %dma_start3A_71 = arith.constant 896 : i32
    %dma_start3A_72 = arith.constant 0 : i32
    %dma_start3A_73 = tpu.memref_slice %arg6[%dma_start3A_71, %dma_start3A_72] : memref<2048x32xf32, #tpu.memory_space<vmem>> -> memref<128x32xf32, #tpu.memory_space<vmem>>
    %dma_start3A_74 = arith.constant 0 : i32
    %dma_start3A_75 = tpu.memref_slice %arg5[%dma_start3A_70, %dma_start3A_74] : memref<16x128xi32, #tpu.memory_space<vmem>> -> memref<1x128xi32, #tpu.memory_space<vmem>>
    %dma_start3A_76 = tpu.memref_squeeze %dma_start3A_75 : memref<1x128xi32, #tpu.memory_space<vmem>> -> memref<128xi32, #tpu.memory_space<vmem>>
    %dma_start3A_77 = arith.constant 0 : i32
    %dma_start3A_78 = arith.constant 0 : i32
    %dma_start3A_79 = tpu.memref_slice %arg2[%dma_start3A_77, %dma_start3A_78] : memref<2048x32xf32, #tpu.memory_space<hbm>> -> memref<2048x32xf32, #tpu.memory_space<hbm>>
    tpu.enqueue_indirect_dma source(%dma_start3A_79 : memref<2048x32xf32, #tpu.memory_space<hbm>>) target(%dma_start3A_73 : memref<128x32xf32, #tpu.memory_space<vmem>>) offsets(%dma_start3A_76 : memref<128xi32, #tpu.memory_space<vmem>>) semaphore(%arg7 : memref<!tpu.dma_semaphore, #tpu.memory_space<semaphore_mem>>)
    %dma_start3A_80 = arith.constant 8 : i32
    %dma_start3A_81 = arith.constant 1024 : i32
    %dma_start3A_82 = arith.constant 0 : i32
    %dma_start3A_83 = tpu.memref_slice %arg6[%dma_start3A_81, %dma_start3A_82] : memref<2048x32xf32, #tpu.memory_space<vmem>> -> memref<128x32xf32, #tpu.memory_space<vmem>>
    %dma_start3A_84 = arith.constant 0 : i32
    %dma_start3A_85 = tpu.memref_slice %arg5[%dma_start3A_80, %dma_start3A_84] : memref<16x128xi32, #tpu.memory_space<vmem>> -> memref<1x128xi32, #tpu.memory_space<vmem>>
    %dma_start3A_86 = tpu.memref_squeeze %dma_start3A_85 : memref<1x128xi32, #tpu.memory_space<vmem>> -> memref<128xi32, #tpu.memory_space<vmem>>
    %dma_start3A_87 = arith.constant 0 : i32
    %dma_start3A_88 = arith.constant 0 : i32
    %dma_start3A_89 = tpu.memref_slice %arg2[%dma_start3A_87, %dma_start3A_88] : memref<2048x32xf32, #tpu.memory_space<hbm>> -> memref<2048x32xf32, #tpu.memory_space<hbm>>
    tpu.enqueue_indirect_dma source(%dma_start3A_89 : memref<2048x32xf32, #tpu.memory_space<hbm>>) target(%dma_start3A_83 : memref<128x32xf32, #tpu.memory_space<vmem>>) offsets(%dma_start3A_86 : memref<128xi32, #tpu.memory_space<vmem>>) semaphore(%arg7 : memref<!tpu.dma_semaphore, #tpu.memory_space<semaphore_mem>>)
    %dma_start3A_90 = arith.constant 9 : i32
    %dma_start3A_91 = arith.constant 1152 : i32
    %dma_start3A_92 = arith.constant 0 : i32
    %dma_start3A_93 = tpu.memref_slice %arg6[%dma_start3A_91, %dma_start3A_92] : memref<2048x32xf32, #tpu.memory_space<vmem>> -> memref<128x32xf32, #tpu.memory_space<vmem>>
    %dma_start3A_94 = arith.constant 0 : i32
    %dma_start3A_95 = tpu.memref_slice %arg5[%dma_start3A_90, %dma_start3A_94] : memref<16x128xi32, #tpu.memory_space<vmem>> -> memref<1x128xi32, #tpu.memory_space<vmem>>
    %dma_start3A_96 = tpu.memref_squeeze %dma_start3A_95 : memref<1x128xi32, #tpu.memory_space<vmem>> -> memref<128xi32, #tpu.memory_space<vmem>>
    %dma_start3A_97 = arith.constant 0 : i32
    %dma_start3A_98 = arith.constant 0 : i32
    %dma_start3A_99 = tpu.memref_slice %arg2[%dma_start3A_97, %dma_start3A_98] : memref<2048x32xf32, #tpu.memory_space<hbm>> -> memref<2048x32xf32, #tpu.memory_space<hbm>>
    tpu.enqueue_indirect_dma source(%dma_start3A_99 : memref<2048x32xf32, #tpu.memory_space<hbm>>) target(%dma_start3A_93 : memref<128x32xf32, #tpu.memory_space<vmem>>) offsets(%dma_start3A_96 : memref<128xi32, #tpu.memory_space<vmem>>) semaphore(%arg7 : memref<!tpu.dma_semaphore, #tpu.memory_space<semaphore_mem>>)
    %dma_start3A_100 = arith.constant 10 : i32
    %dma_start3A_101 = arith.constant 1280 : i32
    %dma_start3A_102 = arith.constant 0 : i32
    %dma_start3A_103 = tpu.memref_slice %arg6[%dma_start3A_101, %dma_start3A_102] : memref<2048x32xf32, #tpu.memory_space<vmem>> -> memref<128x32xf32, #tpu.memory_space<vmem>>
    %dma_start3A_104 = arith.constant 0 : i32
    %dma_start3A_105 = tpu.memref_slice %arg5[%dma_start3A_100, %dma_start3A_104] : memref<16x128xi32, #tpu.memory_space<vmem>> -> memref<1x128xi32, #tpu.memory_space<vmem>>
    %dma_start3A_106 = tpu.memref_squeeze %dma_start3A_105 : memref<1x128xi32, #tpu.memory_space<vmem>> -> memref<128xi32, #tpu.memory_space<vmem>>
    %dma_start3A_107 = arith.constant 0 : i32
    %dma_start3A_108 = arith.constant 0 : i32
    %dma_start3A_109 = tpu.memref_slice %arg2[%dma_start3A_107, %dma_start3A_108] : memref<2048x32xf32, #tpu.memory_space<hbm>> -> memref<2048x32xf32, #tpu.memory_space<hbm>>
    tpu.enqueue_indirect_dma source(%dma_start3A_109 : memref<2048x32xf32, #tpu.memory_space<hbm>>) target(%dma_start3A_103 : memref<128x32xf32, #tpu.memory_space<vmem>>) offsets(%dma_start3A_106 : memref<128xi32, #tpu.memory_space<vmem>>) semaphore(%arg7 : memref<!tpu.dma_semaphore, #tpu.memory_space<semaphore_mem>>)
    %dma_start3A_110 = arith.constant 11 : i32
    %dma_start3A_111 = arith.constant 1408 : i32
    %dma_start3A_112 = arith.constant 0 : i32
    %dma_start3A_113 = tpu.memref_slice %arg6[%dma_start3A_111, %dma_start3A_112] : memref<2048x32xf32, #tpu.memory_space<vmem>> -> memref<128x32xf32, #tpu.memory_space<vmem>>
    %dma_start3A_114 = arith.constant 0 : i32
    %dma_start3A_115 = tpu.memref_slice %arg5[%dma_start3A_110, %dma_start3A_114] : memref<16x128xi32, #tpu.memory_space<vmem>> -> memref<1x128xi32, #tpu.memory_space<vmem>>
    %dma_start3A_116 = tpu.memref_squeeze %dma_start3A_115 : memref<1x128xi32, #tpu.memory_space<vmem>> -> memref<128xi32, #tpu.memory_space<vmem>>
    %dma_start3A_117 = arith.constant 0 : i32
    %dma_start3A_118 = arith.constant 0 : i32
    %dma_start3A_119 = tpu.memref_slice %arg2[%dma_start3A_117, %dma_start3A_118] : memref<2048x32xf32, #tpu.memory_space<hbm>> -> memref<2048x32xf32, #tpu.memory_space<hbm>>
    tpu.enqueue_indirect_dma source(%dma_start3A_119 : memref<2048x32xf32, #tpu.memory_space<hbm>>) target(%dma_start3A_113 : memref<128x32xf32, #tpu.memory_space<vmem>>) offsets(%dma_start3A_116 : memref<128xi32, #tpu.memory_space<vmem>>) semaphore(%arg7 : memref<!tpu.dma_semaphore, #tpu.memory_space<semaphore_mem>>)
    %dma_start3A_120 = arith.constant 12 : i32
    %dma_start3A_121 = arith.constant 1536 : i32
    %dma_start3A_122 = arith.constant 0 : i32
    %dma_start3A_123 = tpu.memref_slice %arg6[%dma_start3A_121, %dma_start3A_122] : memref<2048x32xf32, #tpu.memory_space<vmem>> -> memref<128x32xf32, #tpu.memory_space<vmem>>
    %dma_start3A_124 = arith.constant 0 : i32
    %dma_start3A_125 = tpu.memref_slice %arg5[%dma_start3A_120, %dma_start3A_124] : memref<16x128xi32, #tpu.memory_space<vmem>> -> memref<1x128xi32, #tpu.memory_space<vmem>>
    %dma_start3A_126 = tpu.memref_squeeze %dma_start3A_125 : memref<1x128xi32, #tpu.memory_space<vmem>> -> memref<128xi32, #tpu.memory_space<vmem>>
    %dma_start3A_127 = arith.constant 0 : i32
    %dma_start3A_128 = arith.constant 0 : i32
    %dma_start3A_129 = tpu.memref_slice %arg2[%dma_start3A_127, %dma_start3A_128] : memref<2048x32xf32, #tpu.memory_space<hbm>> -> memref<2048x32xf32, #tpu.memory_space<hbm>>
    tpu.enqueue_indirect_dma source(%dma_start3A_129 : memref<2048x32xf32, #tpu.memory_space<hbm>>) target(%dma_start3A_123 : memref<128x32xf32, #tpu.memory_space<vmem>>) offsets(%dma_start3A_126 : memref<128xi32, #tpu.memory_space<vmem>>) semaphore(%arg7 : memref<!tpu.dma_semaphore, #tpu.memory_space<semaphore_mem>>)
    %dma_start3A_130 = arith.constant 13 : i32
    %dma_start3A_131 = arith.constant 1664 : i32
    %dma_start3A_132 = arith.constant 0 : i32
    %dma_start3A_133 = tpu.memref_slice %arg6[%dma_start3A_131, %dma_start3A_132] : memref<2048x32xf32, #tpu.memory_space<vmem>> -> memref<128x32xf32, #tpu.memory_space<vmem>>
    %dma_start3A_134 = arith.constant 0 : i32
    %dma_start3A_135 = tpu.memref_slice %arg5[%dma_start3A_130, %dma_start3A_134] : memref<16x128xi32, #tpu.memory_space<vmem>> -> memref<1x128xi32, #tpu.memory_space<vmem>>
    %dma_start3A_136 = tpu.memref_squeeze %dma_start3A_135 : memref<1x128xi32, #tpu.memory_space<vmem>> -> memref<128xi32, #tpu.memory_space<vmem>>
    %dma_start3A_137 = arith.constant 0 : i32
    %dma_start3A_138 = arith.constant 0 : i32
    %dma_start3A_139 = tpu.memref_slice %arg2[%dma_start3A_137, %dma_start3A_138] : memref<2048x32xf32, #tpu.memory_space<hbm>> -> memref<2048x32xf32, #tpu.memory_space<hbm>>
    tpu.enqueue_indirect_dma source(%dma_start3A_139 : memref<2048x32xf32, #tpu.memory_space<hbm>>) target(%dma_start3A_133 : memref<128x32xf32, #tpu.memory_space<vmem>>) offsets(%dma_start3A_136 : memref<128xi32, #tpu.memory_space<vmem>>) semaphore(%arg7 : memref<!tpu.dma_semaphore, #tpu.memory_space<semaphore_mem>>)
    %dma_start3A_140 = arith.constant 14 : i32
    %dma_start3A_141 = arith.constant 1792 : i32
    %dma_start3A_142 = arith.constant 0 : i32
    %dma_start3A_143 = tpu.memref_slice %arg6[%dma_start3A_141, %dma_start3A_142] : memref<2048x32xf32, #tpu.memory_space<vmem>> -> memref<128x32xf32, #tpu.memory_space<vmem>>
    %dma_start3A_144 = arith.constant 0 : i32
    %dma_start3A_145 = tpu.memref_slice %arg5[%dma_start3A_140, %dma_start3A_144] : memref<16x128xi32, #tpu.memory_space<vmem>> -> memref<1x128xi32, #tpu.memory_space<vmem>>
    %dma_start3A_146 = tpu.memref_squeeze %dma_start3A_145 : memref<1x128xi32, #tpu.memory_space<vmem>> -> memref<128xi32, #tpu.memory_space<vmem>>
    %dma_start3A_147 = arith.constant 0 : i32
    %dma_start3A_148 = arith.constant 0 : i32
    %dma_start3A_149 = tpu.memref_slice %arg2[%dma_start3A_147, %dma_start3A_148] : memref<2048x32xf32, #tpu.memory_space<hbm>> -> memref<2048x32xf32, #tpu.memory_space<hbm>>
    tpu.enqueue_indirect_dma source(%dma_start3A_149 : memref<2048x32xf32, #tpu.memory_space<hbm>>) target(%dma_start3A_143 : memref<128x32xf32, #tpu.memory_space<vmem>>) offsets(%dma_start3A_146 : memref<128xi32, #tpu.memory_space<vmem>>) semaphore(%arg7 : memref<!tpu.dma_semaphore, #tpu.memory_space<semaphore_mem>>)
    %dma_start3A_150 = arith.constant 15 : i32
    %dma_start3A_151 = arith.constant 1920 : i32
    %dma_start3A_152 = arith.constant 0 : i32
    %dma_start3A_153 = tpu.memref_slice %arg6[%dma_start3A_151, %dma_start3A_152] : memref<2048x32xf32, #tpu.memory_space<vmem>> -> memref<128x32xf32, #tpu.memory_space<vmem>>
    %dma_start3A_154 = arith.constant 0 : i32
    %dma_start3A_155 = tpu.memref_slice %arg5[%dma_start3A_150, %dma_start3A_154] : memref<16x128xi32, #tpu.memory_space<vmem>> -> memref<1x128xi32, #tpu.memory_space<vmem>>
    %dma_start3A_156 = tpu.memref_squeeze %dma_start3A_155 : memref<1x128xi32, #tpu.memory_space<vmem>> -> memref<128xi32, #tpu.memory_space<vmem>>
    %dma_start3A_157 = arith.constant 0 : i32
    %dma_start3A_158 = arith.constant 0 : i32
    %dma_start3A_159 = tpu.memref_slice %arg2[%dma_start3A_157, %dma_start3A_158] : memref<2048x32xf32, #tpu.memory_space<hbm>> -> memref<2048x32xf32, #tpu.memory_space<hbm>>
    tpu.enqueue_indirect_dma source(%dma_start3A_159 : memref<2048x32xf32, #tpu.memory_space<hbm>>) target(%dma_start3A_153 : memref<128x32xf32, #tpu.memory_space<vmem>>) offsets(%dma_start3A_156 : memref<128xi32, #tpu.memory_space<vmem>>) semaphore(%arg7 : memref<!tpu.dma_semaphore, #tpu.memory_space<semaphore_mem>>)
    %dma_wait3A = arith.constant 0 : i32
    %dma_wait3A_160 = arith.constant 0 : i32
    %dma_wait3A_161 = arith.constant 0 : i32
    %dma_wait3A_162 = tpu.memref_slice %arg6[%dma_wait3A_160, %dma_wait3A_161] : memref<2048x32xf32, #tpu.memory_space<vmem>> -> memref<128x32xf32, #tpu.memory_space<vmem>>
    %dma_wait3A_163 = arith.constant 0 : i32
    %dma_wait3A_164 = tpu.memref_slice %arg5[%dma_wait3A, %dma_wait3A_163] : memref<16x128xi32, #tpu.memory_space<vmem>> -> memref<1x128xi32, #tpu.memory_space<vmem>>
    %dma_wait3A_165 = tpu.memref_squeeze %dma_wait3A_164 : memref<1x128xi32, #tpu.memory_space<vmem>> -> memref<128xi32, #tpu.memory_space<vmem>>
    %dma_wait3A_166 = arith.constant 0 : i32
    %dma_wait3A_167 = arith.constant 0 : i32
    %dma_wait3A_168 = tpu.memref_slice %arg2[%dma_wait3A_166, %dma_wait3A_167] : memref<2048x32xf32, #tpu.memory_space<hbm>> -> memref<2048x32xf32, #tpu.memory_space<hbm>>
    tpu.wait_indirect_dma semaphore(%arg7 : memref<!tpu.dma_semaphore, #tpu.memory_space<semaphore_mem>>) src(%dma_wait3A_168 : memref<2048x32xf32, #tpu.memory_space<hbm>>) dst(%dma_wait3A_162 : memref<128x32xf32, #tpu.memory_space<vmem>>)
    %dma_wait3A_169 = arith.constant 1 : i32
    %dma_wait3A_170 = arith.constant 128 : i32
    %dma_wait3A_171 = arith.constant 0 : i32
    %dma_wait3A_172 = tpu.memref_slice %arg6[%dma_wait3A_170, %dma_wait3A_171] : memref<2048x32xf32, #tpu.memory_space<vmem>> -> memref<128x32xf32, #tpu.memory_space<vmem>>
    %dma_wait3A_173 = arith.constant 0 : i32
    %dma_wait3A_174 = tpu.memref_slice %arg5[%dma_wait3A_169, %dma_wait3A_173] : memref<16x128xi32, #tpu.memory_space<vmem>> -> memref<1x128xi32, #tpu.memory_space<vmem>>
    %dma_wait3A_175 = tpu.memref_squeeze %dma_wait3A_174 : memref<1x128xi32, #tpu.memory_space<vmem>> -> memref<128xi32, #tpu.memory_space<vmem>>
    %dma_wait3A_176 = arith.constant 0 : i32
    %dma_wait3A_177 = arith.constant 0 : i32
    %dma_wait3A_178 = tpu.memref_slice %arg2[%dma_wait3A_176, %dma_wait3A_177] : memref<2048x32xf32, #tpu.memory_space<hbm>> -> memref<2048x32xf32, #tpu.memory_space<hbm>>
    tpu.wait_indirect_dma semaphore(%arg7 : memref<!tpu.dma_semaphore, #tpu.memory_space<semaphore_mem>>) src(%dma_wait3A_178 : memref<2048x32xf32, #tpu.memory_space<hbm>>) dst(%dma_wait3A_172 : memref<128x32xf32, #tpu.memory_space<vmem>>)
    %dma_wait3A_179 = arith.constant 2 : i32
    %dma_wait3A_180 = arith.constant 256 : i32
    %dma_wait3A_181 = arith.constant 0 : i32
    %dma_wait3A_182 = tpu.memref_slice %arg6[%dma_wait3A_180, %dma_wait3A_181] : memref<2048x32xf32, #tpu.memory_space<vmem>> -> memref<128x32xf32, #tpu.memory_space<vmem>>
    %dma_wait3A_183 = arith.constant 0 : i32
    %dma_wait3A_184 = tpu.memref_slice %arg5[%dma_wait3A_179, %dma_wait3A_183] : memref<16x128xi32, #tpu.memory_space<vmem>> -> memref<1x128xi32, #tpu.memory_space<vmem>>
    %dma_wait3A_185 = tpu.memref_squeeze %dma_wait3A_184 : memref<1x128xi32, #tpu.memory_space<vmem>> -> memref<128xi32, #tpu.memory_space<vmem>>
    %dma_wait3A_186 = arith.constant 0 : i32
    %dma_wait3A_187 = arith.constant 0 : i32
    %dma_wait3A_188 = tpu.memref_slice %arg2[%dma_wait3A_186, %dma_wait3A_187] : memref<2048x32xf32, #tpu.memory_space<hbm>> -> memref<2048x32xf32, #tpu.memory_space<hbm>>
    tpu.wait_indirect_dma semaphore(%arg7 : memref<!tpu.dma_semaphore, #tpu.memory_space<semaphore_mem>>) src(%dma_wait3A_188 : memref<2048x32xf32, #tpu.memory_space<hbm>>) dst(%dma_wait3A_182 : memref<128x32xf32, #tpu.memory_space<vmem>>)
    %dma_wait3A_189 = arith.constant 3 : i32
    %dma_wait3A_190 = arith.constant 384 : i32
    %dma_wait3A_191 = arith.constant 0 : i32
    %dma_wait3A_192 = tpu.memref_slice %arg6[%dma_wait3A_190, %dma_wait3A_191] : memref<2048x32xf32, #tpu.memory_space<vmem>> -> memref<128x32xf32, #tpu.memory_space<vmem>>
    %dma_wait3A_193 = arith.constant 0 : i32
    %dma_wait3A_194 = tpu.memref_slice %arg5[%dma_wait3A_189, %dma_wait3A_193] : memref<16x128xi32, #tpu.memory_space<vmem>> -> memref<1x128xi32, #tpu.memory_space<vmem>>
    %dma_wait3A_195 = tpu.memref_squeeze %dma_wait3A_194 : memref<1x128xi32, #tpu.memory_space<vmem>> -> memref<128xi32, #tpu.memory_space<vmem>>
    %dma_wait3A_196 = arith.constant 0 : i32
    %dma_wait3A_197 = arith.constant 0 : i32
    %dma_wait3A_198 = tpu.memref_slice %arg2[%dma_wait3A_196, %dma_wait3A_197] : memref<2048x32xf32, #tpu.memory_space<hbm>> -> memref<2048x32xf32, #tpu.memory_space<hbm>>
    tpu.wait_indirect_dma semaphore(%arg7 : memref<!tpu.dma_semaphore, #tpu.memory_space<semaphore_mem>>) src(%dma_wait3A_198 : memref<2048x32xf32, #tpu.memory_space<hbm>>) dst(%dma_wait3A_192 : memref<128x32xf32, #tpu.memory_space<vmem>>)
    %dma_wait3A_199 = arith.constant 4 : i32
    %dma_wait3A_200 = arith.constant 512 : i32
    %dma_wait3A_201 = arith.constant 0 : i32
    %dma_wait3A_202 = tpu.memref_slice %arg6[%dma_wait3A_200, %dma_wait3A_201] : memref<2048x32xf32, #tpu.memory_space<vmem>> -> memref<128x32xf32, #tpu.memory_space<vmem>>
    %dma_wait3A_203 = arith.constant 0 : i32
    %dma_wait3A_204 = tpu.memref_slice %arg5[%dma_wait3A_199, %dma_wait3A_203] : memref<16x128xi32, #tpu.memory_space<vmem>> -> memref<1x128xi32, #tpu.memory_space<vmem>>
    %dma_wait3A_205 = tpu.memref_squeeze %dma_wait3A_204 : memref<1x128xi32, #tpu.memory_space<vmem>> -> memref<128xi32, #tpu.memory_space<vmem>>
    %dma_wait3A_206 = arith.constant 0 : i32
    %dma_wait3A_207 = arith.constant 0 : i32
    %dma_wait3A_208 = tpu.memref_slice %arg2[%dma_wait3A_206, %dma_wait3A_207] : memref<2048x32xf32, #tpu.memory_space<hbm>> -> memref<2048x32xf32, #tpu.memory_space<hbm>>
    tpu.wait_indirect_dma semaphore(%arg7 : memref<!tpu.dma_semaphore, #tpu.memory_space<semaphore_mem>>) src(%dma_wait3A_208 : memref<2048x32xf32, #tpu.memory_space<hbm>>) dst(%dma_wait3A_202 : memref<128x32xf32, #tpu.memory_space<vmem>>)
    %dma_wait3A_209 = arith.constant 5 : i32
    %dma_wait3A_210 = arith.constant 640 : i32
    %dma_wait3A_211 = arith.constant 0 : i32
    %dma_wait3A_212 = tpu.memref_slice %arg6[%dma_wait3A_210, %dma_wait3A_211] : memref<2048x32xf32, #tpu.memory_space<vmem>> -> memref<128x32xf32, #tpu.memory_space<vmem>>
    %dma_wait3A_213 = arith.constant 0 : i32
    %dma_wait3A_214 = tpu.memref_slice %arg5[%dma_wait3A_209, %dma_wait3A_213] : memref<16x128xi32, #tpu.memory_space<vmem>> -> memref<1x128xi32, #tpu.memory_space<vmem>>
    %dma_wait3A_215 = tpu.memref_squeeze %dma_wait3A_214 : memref<1x128xi32, #tpu.memory_space<vmem>> -> memref<128xi32, #tpu.memory_space<vmem>>
    %dma_wait3A_216 = arith.constant 0 : i32
    %dma_wait3A_217 = arith.constant 0 : i32
    %dma_wait3A_218 = tpu.memref_slice %arg2[%dma_wait3A_216, %dma_wait3A_217] : memref<2048x32xf32, #tpu.memory_space<hbm>> -> memref<2048x32xf32, #tpu.memory_space<hbm>>
    tpu.wait_indirect_dma semaphore(%arg7 : memref<!tpu.dma_semaphore, #tpu.memory_space<semaphore_mem>>) src(%dma_wait3A_218 : memref<2048x32xf32, #tpu.memory_space<hbm>>) dst(%dma_wait3A_212 : memref<128x32xf32, #tpu.memory_space<vmem>>)
    %dma_wait3A_219 = arith.constant 6 : i32
    %dma_wait3A_220 = arith.constant 768 : i32
    %dma_wait3A_221 = arith.constant 0 : i32
    %dma_wait3A_222 = tpu.memref_slice %arg6[%dma_wait3A_220, %dma_wait3A_221] : memref<2048x32xf32, #tpu.memory_space<vmem>> -> memref<128x32xf32, #tpu.memory_space<vmem>>
    %dma_wait3A_223 = arith.constant 0 : i32
    %dma_wait3A_224 = tpu.memref_slice %arg5[%dma_wait3A_219, %dma_wait3A_223] : memref<16x128xi32, #tpu.memory_space<vmem>> -> memref<1x128xi32, #tpu.memory_space<vmem>>
    %dma_wait3A_225 = tpu.memref_squeeze %dma_wait3A_224 : memref<1x128xi32, #tpu.memory_space<vmem>> -> memref<128xi32, #tpu.memory_space<vmem>>
    %dma_wait3A_226 = arith.constant 0 : i32
    %dma_wait3A_227 = arith.constant 0 : i32
    %dma_wait3A_228 = tpu.memref_slice %arg2[%dma_wait3A_226, %dma_wait3A_227] : memref<2048x32xf32, #tpu.memory_space<hbm>> -> memref<2048x32xf32, #tpu.memory_space<hbm>>
    tpu.wait_indirect_dma semaphore(%arg7 : memref<!tpu.dma_semaphore, #tpu.memory_space<semaphore_mem>>) src(%dma_wait3A_228 : memref<2048x32xf32, #tpu.memory_space<hbm>>) dst(%dma_wait3A_222 : memref<128x32xf32, #tpu.memory_space<vmem>>)
    %dma_wait3A_229 = arith.constant 7 : i32
    %dma_wait3A_230 = arith.constant 896 : i32
    %dma_wait3A_231 = arith.constant 0 : i32
    %dma_wait3A_232 = tpu.memref_slice %arg6[%dma_wait3A_230, %dma_wait3A_231] : memref<2048x32xf32, #tpu.memory_space<vmem>> -> memref<128x32xf32, #tpu.memory_space<vmem>>
    %dma_wait3A_233 = arith.constant 0 : i32
    %dma_wait3A_234 = tpu.memref_slice %arg5[%dma_wait3A_229, %dma_wait3A_233] : memref<16x128xi32, #tpu.memory_space<vmem>> -> memref<1x128xi32, #tpu.memory_space<vmem>>
    %dma_wait3A_235 = tpu.memref_squeeze %dma_wait3A_234 : memref<1x128xi32, #tpu.memory_space<vmem>> -> memref<128xi32, #tpu.memory_space<vmem>>
    %dma_wait3A_236 = arith.constant 0 : i32
    %dma_wait3A_237 = arith.constant 0 : i32
    %dma_wait3A_238 = tpu.memref_slice %arg2[%dma_wait3A_236, %dma_wait3A_237] : memref<2048x32xf32, #tpu.memory_space<hbm>> -> memref<2048x32xf32, #tpu.memory_space<hbm>>
    tpu.wait_indirect_dma semaphore(%arg7 : memref<!tpu.dma_semaphore, #tpu.memory_space<semaphore_mem>>) src(%dma_wait3A_238 : memref<2048x32xf32, #tpu.memory_space<hbm>>) dst(%dma_wait3A_232 : memref<128x32xf32, #tpu.memory_space<vmem>>)
    %dma_wait3A_239 = arith.constant 8 : i32
    %dma_wait3A_240 = arith.constant 1024 : i32
    %dma_wait3A_241 = arith.constant 0 : i32
    %dma_wait3A_242 = tpu.memref_slice %arg6[%dma_wait3A_240, %dma_wait3A_241] : memref<2048x32xf32, #tpu.memory_space<vmem>> -> memref<128x32xf32, #tpu.memory_space<vmem>>
    %dma_wait3A_243 = arith.constant 0 : i32
    %dma_wait3A_244 = tpu.memref_slice %arg5[%dma_wait3A_239, %dma_wait3A_243] : memref<16x128xi32, #tpu.memory_space<vmem>> -> memref<1x128xi32, #tpu.memory_space<vmem>>
    %dma_wait3A_245 = tpu.memref_squeeze %dma_wait3A_244 : memref<1x128xi32, #tpu.memory_space<vmem>> -> memref<128xi32, #tpu.memory_space<vmem>>
    %dma_wait3A_246 = arith.constant 0 : i32
    %dma_wait3A_247 = arith.constant 0 : i32
    %dma_wait3A_248 = tpu.memref_slice %arg2[%dma_wait3A_246, %dma_wait3A_247] : memref<2048x32xf32, #tpu.memory_space<hbm>> -> memref<2048x32xf32, #tpu.memory_space<hbm>>
    tpu.wait_indirect_dma semaphore(%arg7 : memref<!tpu.dma_semaphore, #tpu.memory_space<semaphore_mem>>) src(%dma_wait3A_248 : memref<2048x32xf32, #tpu.memory_space<hbm>>) dst(%dma_wait3A_242 : memref<128x32xf32, #tpu.memory_space<vmem>>)
    %dma_wait3A_249 = arith.constant 9 : i32
    %dma_wait3A_250 = arith.constant 1152 : i32
    %dma_wait3A_251 = arith.constant 0 : i32
    %dma_wait3A_252 = tpu.memref_slice %arg6[%dma_wait3A_250, %dma_wait3A_251] : memref<2048x32xf32, #tpu.memory_space<vmem>> -> memref<128x32xf32, #tpu.memory_space<vmem>>
    %dma_wait3A_253 = arith.constant 0 : i32
    %dma_wait3A_254 = tpu.memref_slice %arg5[%dma_wait3A_249, %dma_wait3A_253] : memref<16x128xi32, #tpu.memory_space<vmem>> -> memref<1x128xi32, #tpu.memory_space<vmem>>
    %dma_wait3A_255 = tpu.memref_squeeze %dma_wait3A_254 : memref<1x128xi32, #tpu.memory_space<vmem>> -> memref<128xi32, #tpu.memory_space<vmem>>
    %dma_wait3A_256 = arith.constant 0 : i32
    %dma_wait3A_257 = arith.constant 0 : i32
    %dma_wait3A_258 = tpu.memref_slice %arg2[%dma_wait3A_256, %dma_wait3A_257] : memref<2048x32xf32, #tpu.memory_space<hbm>> -> memref<2048x32xf32, #tpu.memory_space<hbm>>
    tpu.wait_indirect_dma semaphore(%arg7 : memref<!tpu.dma_semaphore, #tpu.memory_space<semaphore_mem>>) src(%dma_wait3A_258 : memref<2048x32xf32, #tpu.memory_space<hbm>>) dst(%dma_wait3A_252 : memref<128x32xf32, #tpu.memory_space<vmem>>)
    %dma_wait3A_259 = arith.constant 10 : i32
    %dma_wait3A_260 = arith.constant 1280 : i32
    %dma_wait3A_261 = arith.constant 0 : i32
    %dma_wait3A_262 = tpu.memref_slice %arg6[%dma_wait3A_260, %dma_wait3A_261] : memref<2048x32xf32, #tpu.memory_space<vmem>> -> memref<128x32xf32, #tpu.memory_space<vmem>>
    %dma_wait3A_263 = arith.constant 0 : i32
    %dma_wait3A_264 = tpu.memref_slice %arg5[%dma_wait3A_259, %dma_wait3A_263] : memref<16x128xi32, #tpu.memory_space<vmem>> -> memref<1x128xi32, #tpu.memory_space<vmem>>
    %dma_wait3A_265 = tpu.memref_squeeze %dma_wait3A_264 : memref<1x128xi32, #tpu.memory_space<vmem>> -> memref<128xi32, #tpu.memory_space<vmem>>
    %dma_wait3A_266 = arith.constant 0 : i32
    %dma_wait3A_267 = arith.constant 0 : i32
    %dma_wait3A_268 = tpu.memref_slice %arg2[%dma_wait3A_266, %dma_wait3A_267] : memref<2048x32xf32, #tpu.memory_space<hbm>> -> memref<2048x32xf32, #tpu.memory_space<hbm>>
    tpu.wait_indirect_dma semaphore(%arg7 : memref<!tpu.dma_semaphore, #tpu.memory_space<semaphore_mem>>) src(%dma_wait3A_268 : memref<2048x32xf32, #tpu.memory_space<hbm>>) dst(%dma_wait3A_262 : memref<128x32xf32, #tpu.memory_space<vmem>>)
    %dma_wait3A_269 = arith.constant 11 : i32
    %dma_wait3A_270 = arith.constant 1408 : i32
    %dma_wait3A_271 = arith.constant 0 : i32
    %dma_wait3A_272 = tpu.memref_slice %arg6[%dma_wait3A_270, %dma_wait3A_271] : memref<2048x32xf32, #tpu.memory_space<vmem>> -> memref<128x32xf32, #tpu.memory_space<vmem>>
    %dma_wait3A_273 = arith.constant 0 : i32
    %dma_wait3A_274 = tpu.memref_slice %arg5[%dma_wait3A_269, %dma_wait3A_273] : memref<16x128xi32, #tpu.memory_space<vmem>> -> memref<1x128xi32, #tpu.memory_space<vmem>>
    %dma_wait3A_275 = tpu.memref_squeeze %dma_wait3A_274 : memref<1x128xi32, #tpu.memory_space<vmem>> -> memref<128xi32, #tpu.memory_space<vmem>>
    %dma_wait3A_276 = arith.constant 0 : i32
    %dma_wait3A_277 = arith.constant 0 : i32
    %dma_wait3A_278 = tpu.memref_slice %arg2[%dma_wait3A_276, %dma_wait3A_277] : memref<2048x32xf32, #tpu.memory_space<hbm>> -> memref<2048x32xf32, #tpu.memory_space<hbm>>
    tpu.wait_indirect_dma semaphore(%arg7 : memref<!tpu.dma_semaphore, #tpu.memory_space<semaphore_mem>>) src(%dma_wait3A_278 : memref<2048x32xf32, #tpu.memory_space<hbm>>) dst(%dma_wait3A_272 : memref<128x32xf32, #tpu.memory_space<vmem>>)
    %dma_wait3A_279 = arith.constant 12 : i32
    %dma_wait3A_280 = arith.constant 1536 : i32
    %dma_wait3A_281 = arith.constant 0 : i32
    %dma_wait3A_282 = tpu.memref_slice %arg6[%dma_wait3A_280, %dma_wait3A_281] : memref<2048x32xf32, #tpu.memory_space<vmem>> -> memref<128x32xf32, #tpu.memory_space<vmem>>
    %dma_wait3A_283 = arith.constant 0 : i32
    %dma_wait3A_284 = tpu.memref_slice %arg5[%dma_wait3A_279, %dma_wait3A_283] : memref<16x128xi32, #tpu.memory_space<vmem>> -> memref<1x128xi32, #tpu.memory_space<vmem>>
    %dma_wait3A_285 = tpu.memref_squeeze %dma_wait3A_284 : memref<1x128xi32, #tpu.memory_space<vmem>> -> memref<128xi32, #tpu.memory_space<vmem>>
    %dma_wait3A_286 = arith.constant 0 : i32
    %dma_wait3A_287 = arith.constant 0 : i32
    %dma_wait3A_288 = tpu.memref_slice %arg2[%dma_wait3A_286, %dma_wait3A_287] : memref<2048x32xf32, #tpu.memory_space<hbm>> -> memref<2048x32xf32, #tpu.memory_space<hbm>>
    tpu.wait_indirect_dma semaphore(%arg7 : memref<!tpu.dma_semaphore, #tpu.memory_space<semaphore_mem>>) src(%dma_wait3A_288 : memref<2048x32xf32, #tpu.memory_space<hbm>>) dst(%dma_wait3A_282 : memref<128x32xf32, #tpu.memory_space<vmem>>)
    %dma_wait3A_289 = arith.constant 13 : i32
    %dma_wait3A_290 = arith.constant 1664 : i32
    %dma_wait3A_291 = arith.constant 0 : i32
    %dma_wait3A_292 = tpu.memref_slice %arg6[%dma_wait3A_290, %dma_wait3A_291] : memref<2048x32xf32, #tpu.memory_space<vmem>> -> memref<128x32xf32, #tpu.memory_space<vmem>>
    %dma_wait3A_293 = arith.constant 0 : i32
    %dma_wait3A_294 = tpu.memref_slice %arg5[%dma_wait3A_289, %dma_wait3A_293] : memref<16x128xi32, #tpu.memory_space<vmem>> -> memref<1x128xi32, #tpu.memory_space<vmem>>
    %dma_wait3A_295 = tpu.memref_squeeze %dma_wait3A_294 : memref<1x128xi32, #tpu.memory_space<vmem>> -> memref<128xi32, #tpu.memory_space<vmem>>
    %dma_wait3A_296 = arith.constant 0 : i32
    %dma_wait3A_297 = arith.constant 0 : i32
    %dma_wait3A_298 = tpu.memref_slice %arg2[%dma_wait3A_296, %dma_wait3A_297] : memref<2048x32xf32, #tpu.memory_space<hbm>> -> memref<2048x32xf32, #tpu.memory_space<hbm>>
    tpu.wait_indirect_dma semaphore(%arg7 : memref<!tpu.dma_semaphore, #tpu.memory_space<semaphore_mem>>) src(%dma_wait3A_298 : memref<2048x32xf32, #tpu.memory_space<hbm>>) dst(%dma_wait3A_292 : memref<128x32xf32, #tpu.memory_space<vmem>>)
    %dma_wait3A_299 = arith.constant 14 : i32
    %dma_wait3A_300 = arith.constant 1792 : i32
    %dma_wait3A_301 = arith.constant 0 : i32
    %dma_wait3A_302 = tpu.memref_slice %arg6[%dma_wait3A_300, %dma_wait3A_301] : memref<2048x32xf32, #tpu.memory_space<vmem>> -> memref<128x32xf32, #tpu.memory_space<vmem>>
    %dma_wait3A_303 = arith.constant 0 : i32
    %dma_wait3A_304 = tpu.memref_slice %arg5[%dma_wait3A_299, %dma_wait3A_303] : memref<16x128xi32, #tpu.memory_space<vmem>> -> memref<1x128xi32, #tpu.memory_space<vmem>>
    %dma_wait3A_305 = tpu.memref_squeeze %dma_wait3A_304 : memref<1x128xi32, #tpu.memory_space<vmem>> -> memref<128xi32, #tpu.memory_space<vmem>>
    %dma_wait3A_306 = arith.constant 0 : i32
    %dma_wait3A_307 = arith.constant 0 : i32
    %dma_wait3A_308 = tpu.memref_slice %arg2[%dma_wait3A_306, %dma_wait3A_307] : memref<2048x32xf32, #tpu.memory_space<hbm>> -> memref<2048x32xf32, #tpu.memory_space<hbm>>
    tpu.wait_indirect_dma semaphore(%arg7 : memref<!tpu.dma_semaphore, #tpu.memory_space<semaphore_mem>>) src(%dma_wait3A_308 : memref<2048x32xf32, #tpu.memory_space<hbm>>) dst(%dma_wait3A_302 : memref<128x32xf32, #tpu.memory_space<vmem>>)
    %dma_wait3A_309 = arith.constant 15 : i32
    %dma_wait3A_310 = arith.constant 1920 : i32
    %dma_wait3A_311 = arith.constant 0 : i32
    %dma_wait3A_312 = tpu.memref_slice %arg6[%dma_wait3A_310, %dma_wait3A_311] : memref<2048x32xf32, #tpu.memory_space<vmem>> -> memref<128x32xf32, #tpu.memory_space<vmem>>
    %dma_wait3A_313 = arith.constant 0 : i32
    %dma_wait3A_314 = tpu.memref_slice %arg5[%dma_wait3A_309, %dma_wait3A_313] : memref<16x128xi32, #tpu.memory_space<vmem>> -> memref<1x128xi32, #tpu.memory_space<vmem>>
    %dma_wait3A_315 = tpu.memref_squeeze %dma_wait3A_314 : memref<1x128xi32, #tpu.memory_space<vmem>> -> memref<128xi32, #tpu.memory_space<vmem>>
    %dma_wait3A_316 = arith.constant 0 : i32
    %dma_wait3A_317 = arith.constant 0 : i32
    %dma_wait3A_318 = tpu.memref_slice %arg2[%dma_wait3A_316, %dma_wait3A_317] : memref<2048x32xf32, #tpu.memory_space<hbm>> -> memref<2048x32xf32, #tpu.memory_space<hbm>>
    tpu.wait_indirect_dma semaphore(%arg7 : memref<!tpu.dma_semaphore, #tpu.memory_space<semaphore_mem>>) src(%dma_wait3A_318 : memref<2048x32xf32, #tpu.memory_space<hbm>>) dst(%dma_wait3A_312 : memref<128x32xf32, #tpu.memory_space<vmem>>)
    %mul3A_319 = arith.constant 2048 : i32
    %mul3A_320 = arith.muli %add3A, %mul3A_319 : i32
    "tpu.region"() ({
      %run_scoped3A = tpu.sem_alloc : memref<!tpu.dma_semaphore, #tpu.memory_space<semaphore_mem>>
      %dma_start3A_321 = arith.constant 0 : i32
      %dma_start3A_322 = tpu.memref_slice %arg4[%mul3A_320, %dma_start3A_321] : memref<65536x32xf32, #tpu.memory_space<hbm>> -> memref<2048x32xf32, #tpu.memory_space<hbm>>
      %dma_start3A_323 = arith.constant 0 : i32
      %dma_start3A_324 = tpu.memref_slice %arg4[%mul3A_320, %dma_start3A_323] : memref<65536x32xf32, #tpu.memory_space<hbm>> -> memref<2048x32xf32, #tpu.memory_space<hbm>>
      tpu.enqueue_dma source(%arg6 : memref<2048x32xf32, #tpu.memory_space<vmem>>) target(%dma_start3A_324 : memref<2048x32xf32, #tpu.memory_space<hbm>>) target_semaphore(%run_scoped3A : memref<!tpu.dma_semaphore, #tpu.memory_space<semaphore_mem>>)
      %dma_wait3A_325 = arith.constant 0 : i32
      %dma_wait3A_326 = tpu.memref_slice %arg4[%mul3A_320, %dma_wait3A_325] : memref<65536x32xf32, #tpu.memory_space<hbm>> -> memref<2048x32xf32, #tpu.memory_space<hbm>>
      %dma_wait3A_327 = arith.constant 0 : i32
      %dma_wait3A_328 = tpu.memref_slice %arg4[%mul3A_320, %dma_wait3A_327] : memref<65536x32xf32, #tpu.memory_space<hbm>> -> memref<2048x32xf32, #tpu.memory_space<hbm>>
      tpu.wait_dma2 semaphore(%run_scoped3A : memref<!tpu.dma_semaphore, #tpu.memory_space<semaphore_mem>>) src(%arg6 : memref<2048x32xf32, #tpu.memory_space<vmem>>) dst(%dma_wait3A_328 : memref<2048x32xf32, #tpu.memory_space<hbm>>)
      tpu.yield
    }) : () -> ()
    return
  }
}

module attributes {stable_mosaic.version = 14 : i64} {
  func.func @_vq_body(%arg0: i32, %arg1: memref<4096x128xf32, #tpu.memory_space<vmem>>, %arg2: memref<4x32x512xf32, #tpu.memory_space<vmem>>, %arg3: memref<4x512xf32, #tpu.memory_space<vmem>>, %arg4: memref<4096x4xi32, #tpu.memory_space<vmem>>, %arg5: memref<4096x4xi32, #tpu.memory_space<vmem>>, %arg6: memref<4x512xf32, #tpu.memory_space<vmem>>) attributes {dimension_semantics = [#tpu.dimension_semantics<arbitrary>], iteration_bounds = array<i64: 4>, scalar_prefetch = 0 : i64, scratch_operands = 0 : i64, tpu.core_type = #tpu.core_type<tc>, window_params = [{transform_indices = @transform_0, window_bounds = array<i64: 4096, 128>}, {pipeline_mode = #tpu.pipeline_mode<synchronous>, transform_indices = @transform_1, window_bounds = array<i64: 4, 32, 512>}, {pipeline_mode = #tpu.pipeline_mode<synchronous>, transform_indices = @transform_2, window_bounds = array<i64: 4, 512>}, {transform_indices = @transform_3, window_bounds = array<i64: 4096, 4>}, {transform_indices = @transform_4, window_bounds = array<i64: 4096, 4>}, {pipeline_mode = #tpu.pipeline_mode<synchronous>, transform_indices = @transform_5, window_bounds = array<i64: 4, 512>}]} {
    %broadcast_in_dim3A = arith.constant 1.000000e+00 : f32
    %broadcast_in_dim3A_0 = vector.broadcast %broadcast_in_dim3A : f32 to vector<1x4096xf32>
    %get3A = arith.constant 0 : index
    %get3A_1 = arith.constant 0 : index
    %get3A_2 = vector.load %arg1[%get3A, %get3A_1] : memref<4096x128xf32, #tpu.memory_space<vmem>>, vector<4096x32xf32>
    %get3A_3 = arith.constant 0 : index
    %get3A_4 = arith.constant 0 : index
    %get3A_5 = arith.constant 0 : index
    %get3A_6 = vector.load %arg2[%get3A_3, %get3A_4, %get3A_5] : memref<4x32x512xf32, #tpu.memory_space<vmem>>, vector<1x32x512xf32>
    %get3A_7 = vector.shape_cast %get3A_6 : vector<1x32x512xf32> to vector<32x512xf32>
    %mul3A = arith.mulf %get3A_2, %get3A_2 : vector<4096x32xf32>
    %reduce_sum3A = arith.constant dense<0.000000e+00> : vector<4096xf32>
    %reduce_sum3A_8 = vector.multi_reduction <add>, %mul3A, %reduce_sum3A [1] : vector<4096x32xf32> to vector<4096xf32>
    %broadcast_in_dim3A_9 = vector.shape_cast %reduce_sum3A_8 : vector<4096xf32> to vector<4096x1xf32>
    %mul3A_10 = arith.mulf %get3A_7, %get3A_7 : vector<32x512xf32>
    %reduce_sum3A_11 = arith.constant dense<0.000000e+00> : vector<512xf32>
    %reduce_sum3A_12 = vector.multi_reduction <add>, %mul3A_10, %reduce_sum3A_11 [0] : vector<32x512xf32> to vector<512xf32>
    %broadcast_in_dim3A_13 = vector.shape_cast %reduce_sum3A_12 : vector<512xf32> to vector<1x512xf32>
    %dot_general3A = arith.constant dense<0.000000e+00> : vector<4096x512xf32>
    %dot_general3A_14 = tpu.matmul %get3A_2, %get3A_7, %dot_general3A {dimension_numbers = #tpu.dot_dimension_numbers<[1], [0], [0], [1], [0, 0, 1, 1], [], []>, transpose_lhs_hint = false} : vector<4096x32xf32>, vector<32x512xf32>, vector<4096x512xf32> -> vector<4096x512xf32>
    %mul3A_15 = arith.constant 2.000000e+00 : f32
    %mul3A_16 = vector.broadcast %mul3A_15 : f32 to vector<4096x512xf32>
    %mul3A_17 = arith.mulf %mul3A_16, %dot_general3A_14 : vector<4096x512xf32>
    %sub3A = vector.broadcast %broadcast_in_dim3A_9 : vector<4096x1xf32> to vector<4096x512xf32>
    %sub3A_18 = arith.subf %sub3A, %mul3A_17 : vector<4096x512xf32>
    %add3A = vector.broadcast %broadcast_in_dim3A_13 : vector<1x512xf32> to vector<4096x512xf32>
    %add3A_19 = arith.addf %sub3A_18, %add3A : vector<4096x512xf32>
    %argmin3A = tpu.reduce_index %add3A_19 {axis = 1 : i32, kind = #tpu.reduction_kind<arg_min>} : vector<4096x512xf32> -> vector<4096xi32>
    %broadcast_in_dim3A_20 = vector.shape_cast %argmin3A : vector<4096xi32> to vector<4096x1xi32>
    %iota3A = tpu.iota {dimensions = array<i32: 1>} : vector<4096x512xi32>
    %eq3A = vector.broadcast %broadcast_in_dim3A_20 : vector<4096x1xi32> to vector<4096x512xi32>
    %eq3A_21 = arith.cmpi eq, %iota3A, %eq3A : vector<4096x512xi32>
    %jit3A = arith.constant 1.000000e+00 : f32
    %jit3A_22 = arith.constant 0.000000e+00 : f32
    %broadcast_in_dim3A_23 = vector.broadcast %jit3A : f32 to vector<4096x512xf32>
    %broadcast_in_dim3A_24 = vector.broadcast %jit3A_22 : f32 to vector<4096x512xf32>
    %select_n3A = arith.select %eq3A_21, %broadcast_in_dim3A_23, %broadcast_in_dim3A_24 : vector<4096x512xi1>, vector<4096x512xf32>
    %dot_general3A_25 = arith.constant dense<0.000000e+00> : vector<1x512xf32>
    %dot_general3A_26 = tpu.matmul %broadcast_in_dim3A_0, %select_n3A, %dot_general3A_25 {dimension_numbers = #tpu.dot_dimension_numbers<[1], [0], [0], [1], [0, 0, 1, 1], [], []>, transpose_lhs_hint = false} : vector<1x4096xf32>, vector<4096x512xf32>, vector<1x512xf32> -> vector<1x512xf32>
    %add3A_27 = arith.constant 0 : i32
    %add3A_28 = vector.broadcast %add3A_27 : i32 to vector<4096x1xi32>
    %add3A_29 = arith.addi %broadcast_in_dim3A_20, %add3A_28 : vector<4096x1xi32>
    %get3A_30 = arith.constant 0 : index
    %get3A_31 = arith.constant 32 : index
    %get3A_32 = vector.load %arg1[%get3A_30, %get3A_31] : memref<4096x128xf32, #tpu.memory_space<vmem>>, vector<4096x32xf32>
    %get3A_33 = arith.constant 1 : index
    %get3A_34 = arith.constant 0 : index
    %get3A_35 = arith.constant 0 : index
    %get3A_36 = vector.load %arg2[%get3A_33, %get3A_34, %get3A_35] : memref<4x32x512xf32, #tpu.memory_space<vmem>>, vector<1x32x512xf32>
    %get3A_37 = vector.shape_cast %get3A_36 : vector<1x32x512xf32> to vector<32x512xf32>
    %mul3A_38 = arith.mulf %get3A_32, %get3A_32 : vector<4096x32xf32>
    %reduce_sum3A_39 = arith.constant dense<0.000000e+00> : vector<4096xf32>
    %reduce_sum3A_40 = vector.multi_reduction <add>, %mul3A_38, %reduce_sum3A_39 [1] : vector<4096x32xf32> to vector<4096xf32>
    %broadcast_in_dim3A_41 = vector.shape_cast %reduce_sum3A_40 : vector<4096xf32> to vector<4096x1xf32>
    %mul3A_42 = arith.mulf %get3A_37, %get3A_37 : vector<32x512xf32>
    %reduce_sum3A_43 = arith.constant dense<0.000000e+00> : vector<512xf32>
    %reduce_sum3A_44 = vector.multi_reduction <add>, %mul3A_42, %reduce_sum3A_43 [0] : vector<32x512xf32> to vector<512xf32>
    %broadcast_in_dim3A_45 = vector.shape_cast %reduce_sum3A_44 : vector<512xf32> to vector<1x512xf32>
    %dot_general3A_46 = arith.constant dense<0.000000e+00> : vector<4096x512xf32>
    %dot_general3A_47 = tpu.matmul %get3A_32, %get3A_37, %dot_general3A_46 {dimension_numbers = #tpu.dot_dimension_numbers<[1], [0], [0], [1], [0, 0, 1, 1], [], []>, transpose_lhs_hint = false} : vector<4096x32xf32>, vector<32x512xf32>, vector<4096x512xf32> -> vector<4096x512xf32>
    %mul3A_48 = arith.constant 2.000000e+00 : f32
    %mul3A_49 = vector.broadcast %mul3A_48 : f32 to vector<4096x512xf32>
    %mul3A_50 = arith.mulf %mul3A_49, %dot_general3A_47 : vector<4096x512xf32>
    %sub3A_51 = vector.broadcast %broadcast_in_dim3A_41 : vector<4096x1xf32> to vector<4096x512xf32>
    %sub3A_52 = arith.subf %sub3A_51, %mul3A_50 : vector<4096x512xf32>
    %add3A_53 = vector.broadcast %broadcast_in_dim3A_45 : vector<1x512xf32> to vector<4096x512xf32>
    %add3A_54 = arith.addf %sub3A_52, %add3A_53 : vector<4096x512xf32>
    %argmin3A_55 = tpu.reduce_index %add3A_54 {axis = 1 : i32, kind = #tpu.reduction_kind<arg_min>} : vector<4096x512xf32> -> vector<4096xi32>
    %broadcast_in_dim3A_56 = vector.shape_cast %argmin3A_55 : vector<4096xi32> to vector<4096x1xi32>
    %iota3A_57 = tpu.iota {dimensions = array<i32: 1>} : vector<4096x512xi32>
    %eq3A_58 = vector.broadcast %broadcast_in_dim3A_56 : vector<4096x1xi32> to vector<4096x512xi32>
    %eq3A_59 = arith.cmpi eq, %iota3A_57, %eq3A_58 : vector<4096x512xi32>
    %jit3A_60 = arith.constant 1.000000e+00 : f32
    %jit3A_61 = arith.constant 0.000000e+00 : f32
    %broadcast_in_dim3A_62 = vector.broadcast %jit3A_60 : f32 to vector<4096x512xf32>
    %broadcast_in_dim3A_63 = vector.broadcast %jit3A_61 : f32 to vector<4096x512xf32>
    %select_n3A_64 = arith.select %eq3A_59, %broadcast_in_dim3A_62, %broadcast_in_dim3A_63 : vector<4096x512xi1>, vector<4096x512xf32>
    %dot_general3A_65 = arith.constant dense<0.000000e+00> : vector<1x512xf32>
    %dot_general3A_66 = tpu.matmul %broadcast_in_dim3A_0, %select_n3A_64, %dot_general3A_65 {dimension_numbers = #tpu.dot_dimension_numbers<[1], [0], [0], [1], [0, 0, 1, 1], [], []>, transpose_lhs_hint = false} : vector<1x4096xf32>, vector<4096x512xf32>, vector<1x512xf32> -> vector<1x512xf32>
    %add3A_67 = arith.constant 512 : i32
    %add3A_68 = vector.broadcast %add3A_67 : i32 to vector<4096x1xi32>
    %add3A_69 = arith.addi %broadcast_in_dim3A_56, %add3A_68 : vector<4096x1xi32>
    %get3A_70 = arith.constant 0 : index
    %get3A_71 = arith.constant 64 : index
    %get3A_72 = vector.load %arg1[%get3A_70, %get3A_71] : memref<4096x128xf32, #tpu.memory_space<vmem>>, vector<4096x32xf32>
    %get3A_73 = arith.constant 2 : index
    %get3A_74 = arith.constant 0 : index
    %get3A_75 = arith.constant 0 : index
    %get3A_76 = vector.load %arg2[%get3A_73, %get3A_74, %get3A_75] : memref<4x32x512xf32, #tpu.memory_space<vmem>>, vector<1x32x512xf32>
    %get3A_77 = vector.shape_cast %get3A_76 : vector<1x32x512xf32> to vector<32x512xf32>
    %mul3A_78 = arith.mulf %get3A_72, %get3A_72 : vector<4096x32xf32>
    %reduce_sum3A_79 = arith.constant dense<0.000000e+00> : vector<4096xf32>
    %reduce_sum3A_80 = vector.multi_reduction <add>, %mul3A_78, %reduce_sum3A_79 [1] : vector<4096x32xf32> to vector<4096xf32>
    %broadcast_in_dim3A_81 = vector.shape_cast %reduce_sum3A_80 : vector<4096xf32> to vector<4096x1xf32>
    %mul3A_82 = arith.mulf %get3A_77, %get3A_77 : vector<32x512xf32>
    %reduce_sum3A_83 = arith.constant dense<0.000000e+00> : vector<512xf32>
    %reduce_sum3A_84 = vector.multi_reduction <add>, %mul3A_82, %reduce_sum3A_83 [0] : vector<32x512xf32> to vector<512xf32>
    %broadcast_in_dim3A_85 = vector.shape_cast %reduce_sum3A_84 : vector<512xf32> to vector<1x512xf32>
    %dot_general3A_86 = arith.constant dense<0.000000e+00> : vector<4096x512xf32>
    %dot_general3A_87 = tpu.matmul %get3A_72, %get3A_77, %dot_general3A_86 {dimension_numbers = #tpu.dot_dimension_numbers<[1], [0], [0], [1], [0, 0, 1, 1], [], []>, transpose_lhs_hint = false} : vector<4096x32xf32>, vector<32x512xf32>, vector<4096x512xf32> -> vector<4096x512xf32>
    %mul3A_88 = arith.constant 2.000000e+00 : f32
    %mul3A_89 = vector.broadcast %mul3A_88 : f32 to vector<4096x512xf32>
    %mul3A_90 = arith.mulf %mul3A_89, %dot_general3A_87 : vector<4096x512xf32>
    %sub3A_91 = vector.broadcast %broadcast_in_dim3A_81 : vector<4096x1xf32> to vector<4096x512xf32>
    %sub3A_92 = arith.subf %sub3A_91, %mul3A_90 : vector<4096x512xf32>
    %add3A_93 = vector.broadcast %broadcast_in_dim3A_85 : vector<1x512xf32> to vector<4096x512xf32>
    %add3A_94 = arith.addf %sub3A_92, %add3A_93 : vector<4096x512xf32>
    %argmin3A_95 = tpu.reduce_index %add3A_94 {axis = 1 : i32, kind = #tpu.reduction_kind<arg_min>} : vector<4096x512xf32> -> vector<4096xi32>
    %broadcast_in_dim3A_96 = vector.shape_cast %argmin3A_95 : vector<4096xi32> to vector<4096x1xi32>
    %iota3A_97 = tpu.iota {dimensions = array<i32: 1>} : vector<4096x512xi32>
    %eq3A_98 = vector.broadcast %broadcast_in_dim3A_96 : vector<4096x1xi32> to vector<4096x512xi32>
    %eq3A_99 = arith.cmpi eq, %iota3A_97, %eq3A_98 : vector<4096x512xi32>
    %jit3A_100 = arith.constant 1.000000e+00 : f32
    %jit3A_101 = arith.constant 0.000000e+00 : f32
    %broadcast_in_dim3A_102 = vector.broadcast %jit3A_100 : f32 to vector<4096x512xf32>
    %broadcast_in_dim3A_103 = vector.broadcast %jit3A_101 : f32 to vector<4096x512xf32>
    %select_n3A_104 = arith.select %eq3A_99, %broadcast_in_dim3A_102, %broadcast_in_dim3A_103 : vector<4096x512xi1>, vector<4096x512xf32>
    %dot_general3A_105 = arith.constant dense<0.000000e+00> : vector<1x512xf32>
    %dot_general3A_106 = tpu.matmul %broadcast_in_dim3A_0, %select_n3A_104, %dot_general3A_105 {dimension_numbers = #tpu.dot_dimension_numbers<[1], [0], [0], [1], [0, 0, 1, 1], [], []>, transpose_lhs_hint = false} : vector<1x4096xf32>, vector<4096x512xf32>, vector<1x512xf32> -> vector<1x512xf32>
    %add3A_107 = arith.constant 1024 : i32
    %add3A_108 = vector.broadcast %add3A_107 : i32 to vector<4096x1xi32>
    %add3A_109 = arith.addi %broadcast_in_dim3A_96, %add3A_108 : vector<4096x1xi32>
    %get3A_110 = arith.constant 0 : index
    %get3A_111 = arith.constant 96 : index
    %get3A_112 = vector.load %arg1[%get3A_110, %get3A_111] : memref<4096x128xf32, #tpu.memory_space<vmem>>, vector<4096x32xf32>
    %get3A_113 = arith.constant 3 : index
    %get3A_114 = arith.constant 0 : index
    %get3A_115 = arith.constant 0 : index
    %get3A_116 = vector.load %arg2[%get3A_113, %get3A_114, %get3A_115] : memref<4x32x512xf32, #tpu.memory_space<vmem>>, vector<1x32x512xf32>
    %get3A_117 = vector.shape_cast %get3A_116 : vector<1x32x512xf32> to vector<32x512xf32>
    %mul3A_118 = arith.mulf %get3A_112, %get3A_112 : vector<4096x32xf32>
    %reduce_sum3A_119 = arith.constant dense<0.000000e+00> : vector<4096xf32>
    %reduce_sum3A_120 = vector.multi_reduction <add>, %mul3A_118, %reduce_sum3A_119 [1] : vector<4096x32xf32> to vector<4096xf32>
    %broadcast_in_dim3A_121 = vector.shape_cast %reduce_sum3A_120 : vector<4096xf32> to vector<4096x1xf32>
    %mul3A_122 = arith.mulf %get3A_117, %get3A_117 : vector<32x512xf32>
    %reduce_sum3A_123 = arith.constant dense<0.000000e+00> : vector<512xf32>
    %reduce_sum3A_124 = vector.multi_reduction <add>, %mul3A_122, %reduce_sum3A_123 [0] : vector<32x512xf32> to vector<512xf32>
    %broadcast_in_dim3A_125 = vector.shape_cast %reduce_sum3A_124 : vector<512xf32> to vector<1x512xf32>
    %dot_general3A_126 = arith.constant dense<0.000000e+00> : vector<4096x512xf32>
    %dot_general3A_127 = tpu.matmul %get3A_112, %get3A_117, %dot_general3A_126 {dimension_numbers = #tpu.dot_dimension_numbers<[1], [0], [0], [1], [0, 0, 1, 1], [], []>, transpose_lhs_hint = false} : vector<4096x32xf32>, vector<32x512xf32>, vector<4096x512xf32> -> vector<4096x512xf32>
    %mul3A_128 = arith.constant 2.000000e+00 : f32
    %mul3A_129 = vector.broadcast %mul3A_128 : f32 to vector<4096x512xf32>
    %mul3A_130 = arith.mulf %mul3A_129, %dot_general3A_127 : vector<4096x512xf32>
    %sub3A_131 = vector.broadcast %broadcast_in_dim3A_121 : vector<4096x1xf32> to vector<4096x512xf32>
    %sub3A_132 = arith.subf %sub3A_131, %mul3A_130 : vector<4096x512xf32>
    %add3A_133 = vector.broadcast %broadcast_in_dim3A_125 : vector<1x512xf32> to vector<4096x512xf32>
    %add3A_134 = arith.addf %sub3A_132, %add3A_133 : vector<4096x512xf32>
    %argmin3A_135 = tpu.reduce_index %add3A_134 {axis = 1 : i32, kind = #tpu.reduction_kind<arg_min>} : vector<4096x512xf32> -> vector<4096xi32>
    %broadcast_in_dim3A_136 = vector.shape_cast %argmin3A_135 : vector<4096xi32> to vector<4096x1xi32>
    %iota3A_137 = tpu.iota {dimensions = array<i32: 1>} : vector<4096x512xi32>
    %eq3A_138 = vector.broadcast %broadcast_in_dim3A_136 : vector<4096x1xi32> to vector<4096x512xi32>
    %eq3A_139 = arith.cmpi eq, %iota3A_137, %eq3A_138 : vector<4096x512xi32>
    %jit3A_140 = arith.constant 1.000000e+00 : f32
    %jit3A_141 = arith.constant 0.000000e+00 : f32
    %broadcast_in_dim3A_142 = vector.broadcast %jit3A_140 : f32 to vector<4096x512xf32>
    %broadcast_in_dim3A_143 = vector.broadcast %jit3A_141 : f32 to vector<4096x512xf32>
    %select_n3A_144 = arith.select %eq3A_139, %broadcast_in_dim3A_142, %broadcast_in_dim3A_143 : vector<4096x512xi1>, vector<4096x512xf32>
    %dot_general3A_145 = arith.constant dense<0.000000e+00> : vector<1x512xf32>
    %dot_general3A_146 = tpu.matmul %broadcast_in_dim3A_0, %select_n3A_144, %dot_general3A_145 {dimension_numbers = #tpu.dot_dimension_numbers<[1], [0], [0], [1], [0, 0, 1, 1], [], []>, transpose_lhs_hint = false} : vector<1x4096xf32>, vector<4096x512xf32>, vector<1x512xf32> -> vector<1x512xf32>
    %add3A_147 = arith.constant 1536 : i32
    %add3A_148 = vector.broadcast %add3A_147 : i32 to vector<4096x1xi32>
    %add3A_149 = arith.addi %broadcast_in_dim3A_136, %add3A_148 : vector<4096x1xi32>
    %concatenate3A = tpu.concatenate %broadcast_in_dim3A_20, %broadcast_in_dim3A_56, %broadcast_in_dim3A_96, %broadcast_in_dim3A_136 in 1 : vector<4096x1xi32>, vector<4096x1xi32>, vector<4096x1xi32>, vector<4096x1xi32> -> vector<4096x4xi32>
    %swap3A = arith.constant 0 : index
    %swap3A_150 = arith.constant 0 : index
    %swap3A_151 = vector.load %arg4[%swap3A, %swap3A_150] : memref<4096x4xi32, #tpu.memory_space<vmem>>, vector<4096x4xi32>
    tpu.vector_store %arg4[%swap3A, %swap3A_150], %concatenate3A {strides = array<i32>} : memref<4096x4xi32, #tpu.memory_space<vmem>>, vector<4096x4xi32>,
    %concatenate3A_152 = tpu.concatenate %add3A_29, %add3A_69, %add3A_109, %add3A_149 in 1 : vector<4096x1xi32>, vector<4096x1xi32>, vector<4096x1xi32>, vector<4096x1xi32> -> vector<4096x4xi32>
    %swap3A_153 = arith.constant 0 : index
    %swap3A_154 = arith.constant 0 : index
    %swap3A_155 = vector.load %arg5[%swap3A_153, %swap3A_154] : memref<4096x4xi32, #tpu.memory_space<vmem>>, vector<4096x4xi32>
    tpu.vector_store %arg5[%swap3A_153, %swap3A_154], %concatenate3A_152 {strides = array<i32>} : memref<4096x4xi32, #tpu.memory_space<vmem>>, vector<4096x4xi32>,
    %concatenate3A_156 = tpu.concatenate %dot_general3A_26, %dot_general3A_66, %dot_general3A_106, %dot_general3A_146 in 0 : vector<1x512xf32>, vector<1x512xf32>, vector<1x512xf32>, vector<1x512xf32> -> vector<4x512xf32>
    %eq3A_157 = arith.constant 0 : i32
    %eq3A_158 = arith.cmpi eq, %arg0, %eq3A_157 : i32
    %convert_element_type3A = arith.extui %eq3A_158 : i1 to i32
    %cond3A = arith.constant 0 : i32
    %cond3A_159 = arith.cmpi ne, %convert_element_type3A, %cond3A : i32
    scf.if %cond3A_159 {
      %get3A_164 = arith.constant 0 : index
      %get3A_165 = arith.constant 0 : index
      %get3A_166 = vector.load %arg3[%get3A_164, %get3A_165] : memref<4x512xf32, #tpu.memory_space<vmem>>, vector<4x512xf32>
      %add3A_167 = arith.addf %get3A_166, %concatenate3A_156 : vector<4x512xf32>
      %swap3A_168 = arith.constant 0 : index
      %swap3A_169 = arith.constant 0 : index
      %swap3A_170 = vector.load %arg6[%swap3A_168, %swap3A_169] : memref<4x512xf32, #tpu.memory_space<vmem>>, vector<4x512xf32>
      tpu.vector_store %arg6[%swap3A_168, %swap3A_169], %add3A_167 {strides = array<i32>} : memref<4x512xf32, #tpu.memory_space<vmem>>, vector<4x512xf32>,
    } else {
    }
    %gt3A = arith.constant 0 : i32
    %gt3A_160 = arith.cmpi sgt, %arg0, %gt3A : i32
    %convert_element_type3A_161 = arith.extui %gt3A_160 : i1 to i32
    %cond3A_162 = arith.constant 0 : i32
    %cond3A_163 = arith.cmpi ne, %convert_element_type3A_161, %cond3A_162 : i32
    scf.if %cond3A_163 {
      %get3A_164 = arith.constant 0 : index
      %get3A_165 = arith.constant 0 : index
      %get3A_166 = vector.load %arg6[%get3A_164, %get3A_165] : memref<4x512xf32, #tpu.memory_space<vmem>>, vector<4x512xf32>
      %add3A_167 = arith.addf %get3A_166, %concatenate3A_156 : vector<4x512xf32>
      %swap3A_168 = arith.constant 0 : index
      %swap3A_169 = arith.constant 0 : index
      %swap3A_170 = vector.load %arg6[%swap3A_168, %swap3A_169] : memref<4x512xf32, #tpu.memory_space<vmem>>, vector<4x512xf32>
      tpu.vector_store %arg6[%swap3A_168, %swap3A_169], %add3A_167 {strides = array<i32>} : memref<4x512xf32, #tpu.memory_space<vmem>>, vector<4x512xf32>,
    } else {
    }
    return
  }
  func.func @transform_0(%arg0: i32) -> (i32, i32) {
    %c0_i32 = arith.constant 0 : i32
    %c0_i32_0 = arith.constant 0 : i32
    return %arg0, %c0_i32 : i32, i32
  }
  func.func @transform_1(%arg0: i32) -> (i32, i32, i32) {
    %c0_i32 = arith.constant 0 : i32
    %c0_i32_0 = arith.constant 0 : i32
    %c0_i32_1 = arith.constant 0 : i32
    %c0_i32_2 = arith.constant 0 : i32
    return %c0_i32, %c0_i32_0, %c0_i32_1 : i32, i32, i32
  }
  func.func @transform_2(%arg0: i32) -> (i32, i32) {
    %c0_i32 = arith.constant 0 : i32
    %c0_i32_0 = arith.constant 0 : i32
    %c0_i32_1 = arith.constant 0 : i32
    return %c0_i32, %c0_i32_0 : i32, i32
  }
  func.func @transform_3(%arg0: i32) -> (i32, i32) {
    %c0_i32 = arith.constant 0 : i32
    %c0_i32_0 = arith.constant 0 : i32
    return %arg0, %c0_i32 : i32, i32
  }
  func.func @transform_4(%arg0: i32) -> (i32, i32) {
    %c0_i32 = arith.constant 0 : i32
    %c0_i32_0 = arith.constant 0 : i32
    return %arg0, %c0_i32 : i32, i32
  }
  func.func @transform_5(%arg0: i32) -> (i32, i32) {
    %c0_i32 = arith.constant 0 : i32
    %c0_i32_0 = arith.constant 0 : i32
    %c0_i32_1 = arith.constant 0 : i32
    return %c0_i32, %c0_i32_0 : i32, i32
  }
}

</mosaic_0001>

<sc_bundles>
// kernel: kernel.4.cloned.1.call-start
scs
__scs_entry_jumppad:
0x0: {  	(pc) =	sbr.rel $0x88, $3  }
0x1: {  	(tag) =	ssettag $0x0;
	lr =	simm.s32 $0x1  }
0x2: {  	[smem:$0x3F9E] =	sst lr;
	_ =	strace $0xD0000000  }
0x3: {  	_ = 	snop  }
0x4: {  	_ = 	snop  }
0x5: {  	_ = 	snop  }
0x6: {  	_ = 	snop  }
0x7: {  	_ = 	snop  }
__scs_overlays_trampoline_lowered:
0x8: {  	[smem:$0x3FAD] =	sst s0  }
0x9: {  	[smem:$0x3FAE] =	sst s1  }
0xa: {  	[smem:$0x3FAF] =	sst s2  }
0xb: {  	[smem:$0x3FB0] =	sst s3  }
0xc: {  	[smem:$0x3FB1] =	sst s4  }
0xd: {  	[smem:$0x3FB2] =	sst s5  }
0xe: {  	[smem:$0x3FB3] =	sst s6  }
0xf: {  	[smem:$0x3FB4] =	sst s7  }
0x10: {  	[smem:$0x3FB5] =	sst s8  }
0x11: {  	[smem:$0x3FB6] =	sst s9;
	s0 =	simm.s32 @!p0 $0x0  }
0x12: {  	s1 =	sld [smem:$0x3F9C];
	s0 =	simm.s32 @p0 $0x1  }
0x13: {  	[smem:$0x3FB7] =	sst s0;
	s0 =	simm.s32 @!p1 $0x0  }
0x14: {  	s2 =	sld [smem:$0x3F9B];
	s0 =	simm.s32 @p1 $0x1  }
0x15: {  	[smem:$0x3FB8] =	sst s0;
	s0 =	simm.s32 @!p2 $0x0  }
0x16: {  	s3 =	sld [smem:$0x3FDB];
	s0 =	simm.s32 @p2 $0x1  }
0x17: {  	s4 =	simm.s32 $0x1BF5;
	[smem:$0x3FBA] =	sst s0  }
0x18: {  	s0 =	sld [smem:$0x3F9D];
	_ =	swait.ge [sflag:s4], $0x0  }
0x19: {  	s7 =	sld [smem:$0x3F9E]  }
0x1a: {  	s8 =	sadd.s32 $0xFFFFE003, lr  }
0x1b: {  	s9 =	sadd.s32 $0xFFFFFEF7, lr;
	s5 =	simm.s32 $0xFFFFFFFF;
	p2 =	slt.u32 s8, $0xFFFFF086  }
0x1c: {  	p1 =	slt.u32 s9, $0xF7A;
	s5 =	simm.s32 @!p2 $0x0  }
0x1d: {  	s5 =	simm.s32 @p1 $0x1;
	p0 =	seq.s32 s7, s2  }
0x1e: {  	s7 =	smul.u32 @!p0 $0xF7A, s2;
	p2 =	seq.s32 @!p0 s5, $0x0  }
0x1f: {  	s9 =	smul.u32 $0xF7A, s1;
	s8 =	simm.s32 @!p0 $0x1BF5;
	p2 =	por !p2, p0  }
0x20: {  	[sflag:s8] =	ssyncset.s32 @!p0 $0xFFFFF086;
	s6 =	sadd.s32 @!p0 s3, s7;
	s7 =	simm.s32 @!p0 $0x108  }
0x21: {  	s3 =	sadd.s32 s3, s9;
	s6 =	sadd.s32 @!p0 $0x88, s6;
	s7 =	simm.s32 @p2 $0x1082  }
0x22: {  	[simem:s7], [sflag:s8] =	dma.local @!p0 [hbm:s6], $0xF7A  }
0x23: {  	s9 =	sor.u32 $0xD0000000, s2;
	s6 =	simm.s32 $0x108;
	_ =	swait.ge @!p0 [sflag:s8], $0x0  }
0x24: {  	s3 =	sadd.s32 $0x88, s3;
	s6 =	simm.s32 @!p1 $0x1082;
	[sflag:s4] =	ssyncset.s32 $0xFFFFF086  }
0x25: {  	[simem:s6], [sflag:s4] =	dma.local [hbm:s3], $0xF7A  }
0x26: {  	[smem:$0x3F9E] =	sst s1;
	(tag) =	ssettag s2;
	_ =	strace s9  }
0x27: {  	s1 =	sld [smem:$0x3FAE]  }
0x28: {  	s2 =	sld [smem:$0x3FAF]  }
0x29: {  	s4 =	sld [smem:$0x3FB1]  }
0x2a: {  	p0 =	seq.s32 s5, $0x0;
	s5 =	sld [smem:$0x3FB2]  }
0x2b: {  	s6 =	sld [smem:$0x3FB3]  }
0x2c: {  	s7 =	sld [smem:$0x3FB4]  }
0x2d: {  	s3 =	simm.s32 $0x108;
	s8 =	sld [smem:$0x3FB5]  }
0x2e: {  	s3 =	simm.s32 @!p0 $0x1082;
	s9 =	sld [smem:$0x3FB6]  }
0x2f: {  	lr =	sadd.s32 s0, s3;
	s0 =	sld [smem:$0x3FAD]  }
0x30: {  	s3 =	sld [smem:$0x3FB0]  }
0x31: {  	[smem:$0x3FB9] =	sst s10  }
0x32: {  	s10 =	sld [smem:$0x3FB7];
	_ =	sdelay $0x3  }
0x33: {  	p0 =	seq.s32 s10, $0x1;
	s10 =	sld [smem:$0x3FB9];
	_ =	sdelay $0x3  }
0x34: {  	[smem:$0x3FB9] =	sst s10  }
0x35: {  	s10 =	sld [smem:$0x3FB8];
	_ =	sdelay $0x3  }
0x36: {  	p1 =	seq.s32 s10, $0x1;
	s10 =	sld [smem:$0x3FB9];
	_ =	sdelay $0x3  }
0x37: {  	[smem:$0x3FB9] =	sst s10  }
0x38: {  	s10 =	sld [smem:$0x3FBA]  }
0x39: {  	_ = 	snop;
	(pc) =	sbr.ind lr, $3  }
0x3a: {  	_ = 	snop  }
0x3b: {  	_ = 	snop  }
0x3c: {  	p2 =	seq.s32 s10, $0x1;
	s10 =	sld [smem:$0x3FB9]  }
0x3d: {  	_ =	shalt  }
0x3e: {  	_ =	shalt  }
0x3f: {  	_ =	shalt  }
0x40: {  	_ =	shalt  }
0x41: {  	_ =	shalt  }
0x42: {  	_ =	shalt  }
0x43: {  	_ =	shalt  }
0x44: {  	_ =	shalt  }
0x45: {  	_ =	shalt  }
0x46: {  	_ =	shalt  }
0x47: {  	_ =	shalt  }
0x48: {  	_ =	shalt  }
0x49: {  	_ =	shalt  }
0x4a: {  	_ =	shalt  }
0x4b: {  	_ =	shalt  }
0x4c: {  	_ =	shalt  }
0x4d: {  	_ =	shalt  }
0x4e: {  	_ =	shalt  }
0x4f: {  	_ =	shalt  }
0x50: {  	_ =	shalt  }
0x51: {  	_ =	shalt  }
0x52: {  	_ =	shalt  }
0x53: {  	_ =	shalt  }
0x54: {  	_ =	shalt  }
0x55: {  	_ =	shalt  }
0x56: {  	_ =	shalt  }
0x57: {  	_ =	shalt  }
0x58: {  	_ =	shalt  }
0x59: {  	_ =	shalt  }
0x5a: {  	_ =	shalt  }
0x5b: {  	_ =	shalt  }
0x5c: {  	_ =	shalt  }
0x5d: {  	_ =	shalt  }
0x5e: {  	_ =	shalt  }
0x5f: {  	_ =	shalt  }
0x60: {  	_ =	shalt  }
0x61: {  	_ =	shalt  }
0x62: {  	_ =	shalt  }
0x63: {  	_ =	shalt  }
0x64: {  	_ =	shalt  }
0x65: {  	_ =	shalt  }
0x66: {  	_ =	shalt  }
0x67: {  	_ =	shalt  }
0x68: {  	_ =	shalt  }
0x69: {  	_ =	shalt  }
0x6a: {  	_ =	shalt  }
0x6b: {  	_ =	shalt  }
0x6c: {  	_ =	shalt  }
0x6d: {  	_ =	shalt  }
0x6e: {  	_ =	shalt  }
0x6f: {  	_ =	shalt  }
0x70: {  	_ =	shalt  }
0x71: {  	_ =	shalt  }
0x72: {  	_ =	shalt  }
0x73: {  	_ =	shalt  }
0x74: {  	_ =	shalt  }
0x75: {  	_ =	shalt  }
0x76: {  	_ =	shalt  }
0x77: {  	_ =	shalt  }
0x78: {  	_ =	shalt  }
0x79: {  	_ =	shalt  }
0x7a: {  	_ =	shalt  }
0x7b: {  	_ =	shalt  }
0x7c: {  	_ =	shalt  }
0x7d: {  	_ =	shalt  }
0x7e: {  	_ =	shalt  }
0x7f: {  	_ =	shalt  }
0x80: {  	_ =	shalt  }
0x81: {  	_ =	shalt  }
0x82: {  	_ =	shalt  }
0x83: {  	_ =	shalt  }
0x84: {  	_ =	shalt  }
0x85: {  	_ =	shalt  }
0x86: {  	_ =	shalt  }
0x87: {  	_ =	shalt  }
.Lfunc_end0:
.L_simem_size_0:
called_computation_lowered:
.L_overlay_start_0:
0x88: {  	s2 =	sld [smem:$0x3FD9]  }
0x89: {  	s3 =	sld [smem:$0x3FFE];
	_ =	sdelay $0x1  }
0x8a: {  	s1 =	srdreg.scid  }
0x8b: {  	s0 =	sand.u32 $0x1, s1  }
0x8c: {  	s14 =	sshll.u32 s0, $0xA;
	s2 =	sadd.s32 s3, s2  }
0x8d: {  	s2 =	sadd.s32 s2, s14  }
0x8e: {  	[smem:$0x3FC5] =	sst s2  }
0x8f: {  	_ = 	snop  }
0x90: {  	s2 =	sld [smem:$0x3FD0];
	_ =	sdelay $0x2  }
0x91: {  	s15 =	simm.s32 $0xA;
	s4 =	simm.s32 $0x10  }
0x92: {  	[smem:s4], [sflag:s15] =	dma.local [hbm:s2], $0x1  }
0x93: {  	_ =	swait.eq [sflag:s15], $0x1  }
0x94: {  	[sflag:s15] =	ssyncset.done $0x0  }
0x95: {  	[sflag:s15] =	ssyncadd.s32 $0xFFFFFFFF  }
0x96: {  	s16 =	sld [smem:$0x10];
	(tm) =	ssettm $0x1  }
0x97: {  	s17 =	sld [smem:$0x3FFB];
	_ =	sdelay $0x3  }
0x98: {  	_ =	strace s17  }
0x99: {  	s3 =	sld [smem:$0x3FFC];
	_ =	sdelay $0x3  }
0x9a: {  	_ =	strace s3  }
0x9b: {  	s3 =	sld [smem:$0x3FFD];
	_ =	sdelay $0x3  }
0x9c: {  	_ =	strace s3  }
0x9d: {  	_ =	strace $0x8FFFFFFF  }
0x9e: {  	s18 =	sld [smem:$0x3FDB];
	_ =	sdelay $0x1  }
0x9f: {  	s19 =	simm.s32 $_scs_section_size  }
0xa0: {  	s5 =	simm.s32 $_size__tile_overlayer_lowered;
	s6 =	simm.s32 $_tile_overlayer_lowered  }
0xa1: {  	s22 =	simm.s32 $0x1BFF;
	s21 =	sshll.u32 s6, $0x1;
	s3 =	sadd.s32 s19, s18  }
0xa2: {  	s7 =	simm.s32 $0x0;
	s20 =	sshll.u32 s5, $0x1;
	s5 =	sadd.s32 s21, s3  }
0xa3: {  	[timem:s7], [sflag:s22] =	dma.local [hbm:s5], s20  }
0xa4: {  	_ =	swait.ge [sflag:s22], s20  }
0xa5: {  	s4 =	ssub.s32 $0x0, s20;
	[sflag:s22] =	ssyncset.done $0x0  }
0xa6: {  	[sflag:s22] =	ssyncadd.s32 s4;
	_ =	sdelay $0x1  }
0xa7: {  	s23 =	simm.s32 $0x1B8B  }
0xa8: {  	_ =	swait.ge [sflag:s23], $0x1  }
0xa9: {  	[sflag:s23] =	ssyncset.done $0x0  }
0xaa: {  	s25 =	simm.s32 $0x1B8E;
	s24 =	sld [smem:$0x3FFE];
	[sflag:s23] =	ssyncadd.s32 $0xFFFFFFFF  }
0xab: {  	s26 =	simm.s32 $execute0_lowered;
	[smem:$0x3FD2] =	sst s25  }
0xac: {  	s5 =	sshll.u32 s26, $0x1;
	_ =	strace $0x80000046;
	[dreg:$0x1] =	wrdreg $0xFFFFFFFF  }
0xad: {  	s28 =	simm.s32 $_size_execute0_lowered;
	s3 =	sadd.s32 s3, s5;
	[dreg:$0x0] =	wrdreg $0x0  }
0xae: {  	s5 =	sshll.u32 s28, $0x1;
	[dreg:$0x2] =	wrdreg s3  }
0xaf: {  	[dreg:$0x3] =	wrdreg s5  }
0xb0: {  	[dreg:$0x4] =	wrdreg $0xC0  }
0xb1: {  	_ =	task [dreg:s7], $0x5FFFF  }
0xb2: {  	[dreg:$0x1] =	wrdreg $0xFFFFFFFF  }
0xb3: {  	[dreg:$0x0] =	wrdreg $0x60  }
0xb4: {  	[dreg:$0x2] =	wrdreg s24  }
0xb5: {  	[dreg:$0x3] =	wrdreg s16  }
0xb6: {  	[dreg:$0x4] =	wrdreg $0x9  }
0xb7: {  	_ =	task.clear_ibuf [dreg:s7], $0x5FFFF;
	_ =	strace $0x90000046  }
0xb8: {  	s29 =	simm.s32 $0x9;
	_ =	strace $0x80000048  }
0xb9: {  	_ =	swait.ge [sflag:s29], $0x1  }
0xba: {  	[sflag:s29] =	ssyncadd.s32 $0xFFFFFFFF  }
0xbb: {  	_ =	strace $0x90000048  }
0xbc: {  	_ =	sfence  }
0xbd: {  	s30 =	sld [smem:$0x0];
	_ =	sdelay $0x2  }
0xbe: {  	s31 =	sshll.u32 s1, $0xD;
	s1 =	sshrl.u32 s1, $0x2  }
0xbf: {  	s3 =	sand.u32 $0x4000, s31;
	s1 =	sadd.s32 s1, s30  }
0xc0: {  	s0 =	sor.u32 s3, s0;
	s1 =	sshll.u32 s1, $0x11  }
0xc1: {  	s0 =	sor.u32 s1, s0  }
0xc2: {  	s0 =	sadd.s32 $0x8F2B, s0  }
0xc3: {  	[sflag:s0] =	ssyncadd.remote.s32 $0x1  }
0xc4: {  	_ =	sfence.sel $0xFFFF  }
0xc5: {  	[dreg:$0x0] =	wrdreg $0xFFFFFFFF;
	(pc) =	sbr.abs _section_cstart, $3  }
0xc6: {  	[dreg:$0x1] =	wrdreg $0xFFFFFFFF  }
0xc7: {  	_ =	task.clear_ibuf [dreg:s7], $0x2FFFF;
	_ =	strace $0x9FFFFFFF  }
0xc8: {  	(tm) =	ssettm $0x7FFFFFFF  }
0xc9: {  	_ =	shalt  }
tec
execute0_lowered:
.L_overlay_start_1:
0x0: {  	(tag) =	ssettag $0x1  }
0x1: {  	s1 =	srdreg.scid  }
0x2: {  	s0 =	stileid.u32;
	s3 =	rddreg [dreg:$0x0]  }
0x3: {  	s5 =	rddreg [dreg:$0x1];
	s20 =	simm.s32 $0x1800;
	s21 =	simm.s32 $0x100  }
0x4: {  	s23 =	simm.s32 $0x2800;
	s24 =	simm.s32 $0x180;
	s25 =	simm.s32 $0x3800  }
0x5: {  	s26 =	simm.s32 $0x200;
	s7 =	simm.s32 $0x80;
	s11 =	simm.s32 $0x300  }
0x6: {  	s12 =	simm.s32 $0x6800;
	s13 =	simm.s32 $0x380;
	s14 =	simm.s32 $0x7800  }
0x7: {  	s15 =	simm.s32 $0x400;
	s16 =	simm.s32 $0x8800;
	s17 =	simm.s32 $0x480  }
0x8: {  	s18 =	simm.s32 $0x9800;
	s19 =	simm.s32 $0x500;
	s1 =	sand.u32 $0x1, s1  }
0x9: {  	p0 =	por $0x0, $0x0;
	s2 =	sshll.u32 s0, $0xC;
	s4 =	sshll.u32 s1, $0xB  }
0xa: {  	s28 =	simm.s32 $0x700;
	s4 =	sor.u32 s4, s2;
	s2 =	simm.s32 $0x0  }
0xb: {  	s29 =	simm.s32 $0xE800;
	s30 =	simm.s32 $0x780;
	[smem:$0x7FF] =	sst s2  }
0xc: {  	s1 =	ssub.s32 $0x2, s1;
	_ =	strace $0x80000047;
	[dreg:$0x5] =	wrdreg s20  }
0xd: {  	s31 =	simm.s32 $0xF800;
	s22 =	sshrl.u32 s1, $0x1;
	[dreg:$0x6] =	wrdreg s21  }
0xe: {  	s6 =	sshrl.u32 s4, $0x3;
	s4 =	sshll.u32 s4, $0x2;
	[dreg:$0x7] =	wrdreg s23  }
0xf: {  	s1 =	ssub.s32 s1, s22;
	s22 =	simm.s32 $0xB800;
	[dreg:$0x8] =	wrdreg s24  }
0x10: {  	s6 =	sadd.s32 s6, s3;
	s1 =	smax.u32 s1, $0x1;
	[dreg:$0x9] =	wrdreg s25  }
0x11: {  	s4 =	sadd.s32 s5, s4;
	[dreg:$0xa] =	wrdreg s26;
	p1 =	sne.s32 s1, $0x1  }
.Ltmp0:
0x12: {  	s20 =	simm.s32 $0xA800;
	s21 =	simm.s32 $0x580;
	(pc) =	sbr.rel @!p1 .LBB2_3-.Ltmp0, $4  }
0x13: {  	s23 =	simm.s32 $0x600;
	s24 =	simm.s32 $0xC800;
	s25 =	simm.s32 $0x680  }
0x14: {  	s26 =	simm.s32 $0xD800;
	s5 =	simm.s32 $0x1;
	s6 =	sadd.s32 $0x2A00, s6  }
0x15: {  	[dreg:$0x4] =	wrdreg s4;
	s4 =	simm.s32 $0x800;
	s8 =	sadd.s32 $0xFFFFFFFF, s1  }
0x16: {  	[dreg:$0x3] =	wrdreg s6;
	s6 =	sadd.s32 $0xA00, s3;
	s3 =	simm.s32 $0x2  }
0x17: {  	s0 =	rddreg [dreg:$0x3]  }
0x18: {  	[tilespmem:s2], [sflag:$0x2] =	stream.linear.gather [hbm4b:s0+s2], $0x800, $0x38;
	[tilespmem:$0x10800] =	vst v63  }
0x19: {  	_ =	swait.ge [sflag:s3], $0x800  }
0x1a: {  	s10 =	rddreg [dreg:$0x6]  }
0x1b: {  	s1 =	rddreg [dreg:$0x5]  }
0x1c: {  	s0 =	rddreg [dreg:$0x7]  }
0x1d: {  	[sflag:s3] =	ssyncset.done $0x0;
	[dreg:$0xb] =	wrdreg s10  }
0x1e: {  	[sflag:s3] =	ssyncadd.s32 $0xFFFFF800;
	s10 =	rddreg [dreg:$0x9]  }
0x1f: {  	[tilespmem:s4], [sflag:$0x1] =	stream.indirect.gather [hbm4b:s6+s7], $0x20, s2, s7, $0xb8;
	[tilespmem:$0x10800] =	vst v63  }
0x20: {  	[dreg:$0xc] =	wrdreg s10  }
0x21: {  	s10 =	rddreg [dreg:$0xb]  }
0x22: {  	[tilespmem:s1], [sflag:$0x1] =	stream.indirect.gather [hbm4b:s6+s7], $0x20, s7, s7, $0xb8;
	[tilespmem:$0x10800] =	vst v63  }
0x23: {  	s1 =	rddreg [dreg:$0x8]  }
0x24: {  	[tilespmem:s0], [sflag:$0x1] =	stream.indirect.gather [hbm4b:s6+s7], $0x20, s10, s7, $0xb8;
	[tilespmem:$0x10800] =	vst v63  }
0x25: {  	s10 =	rddreg [dreg:$0xc]  }
0x26: {  	[tilespmem:s10], [sflag:$0x1] =	stream.indirect.gather [hbm4b:s6+s7], $0x20, s1, s7, $0xb8;
	[tilespmem:$0x10800] =	vst v63  }
0x27: {  	s9 =	simm.s32 $0x4800;
	s0 =	rddreg [dreg:$0xa]  }
0x28: {  	[tilespmem:s9], [sflag:$0x1] =	stream.indirect.gather [hbm4b:s6+s7], $0x20, s0, s7, $0xb8;
	[tilespmem:$0x10800] =	vst v63  }
0x29: {  	s1 =	simm.s32 $0x280;
	s9 =	simm.s32 $0x5800  }
0x2a: {  	[tilespmem:s9], [sflag:$0x1] =	stream.indirect.gather [hbm4b:s6+s7], $0x20, s1, s7, $0xb8;
	[tilespmem:$0x10800] =	vst v63  }
0x2b: {  	_ = 	snop  }
0x2c: {  	[tilespmem:s12], [sflag:$0x1] =	stream.indirect.gather [hbm4b:s6+s7], $0x20, s11, s7, $0xb8;
	[tilespmem:$0x10800] =	vst v63  }
0x2d: {  	_ = 	snop  }
0x2e: {  	[tilespmem:s14], [sflag:$0x1] =	stream.indirect.gather [hbm4b:s6+s7], $0x20, s13, s7, $0xb8;
	[tilespmem:$0x10800] =	vst v63  }
0x2f: {  	_ = 	snop  }
0x30: {  	[tilespmem:s16], [sflag:$0x1] =	stream.indirect.gather [hbm4b:s6+s7], $0x20, s15, s7, $0xb8;
	[tilespmem:$0x10800] =	vst v63  }
0x31: {  	_ = 	snop  }
0x32: {  	[tilespmem:s18], [sflag:$0x1] =	stream.indirect.gather [hbm4b:s6+s7], $0x20, s17, s7, $0xb8;
	[tilespmem:$0x10800] =	vst v63  }
0x33: {  	_ = 	snop  }
0x34: {  	[tilespmem:s20], [sflag:$0x1] =	stream.indirect.gather [hbm4b:s6+s7], $0x20, s19, s7, $0xb8;
	[tilespmem:$0x10800] =	vst v63  }
0x35: {  	_ = 	snop  }
0x36: {  	[tilespmem:s22], [sflag:$0x1] =	stream.indirect.gather [hbm4b:s6+s7], $0x20, s21, s7, $0xb8;
	[tilespmem:$0x10800] =	vst v63  }
0x37: {  	_ = 	snop  }
0x38: {  	[tilespmem:s24], [sflag:$0x1] =	stream.indirect.gather [hbm4b:s6+s7], $0x20, s23, s7, $0xb8;
	[tilespmem:$0x10800] =	vst v63  }
0x39: {  	_ = 	snop  }
0x3a: {  	[tilespmem:s26], [sflag:$0x1] =	stream.indirect.gather [hbm4b:s6+s7], $0x20, s25, s7, $0xb8;
	[tilespmem:$0x10800] =	vst v63  }
0x3b: {  	_ = 	snop  }
0x3c: {  	[tilespmem:s29], [sflag:$0x1] =	stream.indirect.gather [hbm4b:s6+s7], $0x20, s28, s7, $0xb8;
	[tilespmem:$0x10800] =	vst v63  }
0x3d: {  	_ = 	snop  }
0x3e: {  	[tilespmem:s31], [sflag:$0x1] =	stream.indirect.gather [hbm4b:s6+s7], $0x20, s30, s7, $0xb8;
	[tilespmem:$0x10800] =	vst v63  }
0x3f: {  	_ =	swait.ge [sflag:s5], $0x1000  }
0x40: {  	[sflag:s5] =	ssyncset.done $0x0  }
0x41: {  	[sflag:s5] =	ssyncadd.s32 $0xFFFFF000  }
0x42: {  	_ =	swait.ge [sflag:s5], $0x1000  }
0x43: {  	[sflag:s5] =	ssyncset.done $0x0  }
0x44: {  	[sflag:s5] =	ssyncadd.s32 $0xFFFFF000  }
0x45: {  	_ =	swait.ge [sflag:s5], $0x1000  }
0x46: {  	[sflag:s5] =	ssyncset.done $0x0  }
0x47: {  	[sflag:s5] =	ssyncadd.s32 $0xFFFFF000  }
0x48: {  	_ =	swait.ge [sflag:s5], $0x1000  }
0x49: {  	[sflag:s5] =	ssyncset.done $0x0  }
0x4a: {  	[sflag:s5] =	ssyncadd.s32 $0xFFFFF000  }
0x4b: {  	_ =	swait.ge [sflag:s5], $0x1000  }
0x4c: {  	[sflag:s5] =	ssyncset.done $0x0  }
0x4d: {  	[sflag:s5] =	ssyncadd.s32 $0xFFFFF000  }
0x4e: {  	_ =	swait.ge [sflag:s5], $0x1000  }
0x4f: {  	[sflag:s5] =	ssyncset.done $0x0  }
0x50: {  	[sflag:s5] =	ssyncadd.s32 $0xFFFFF000  }
0x51: {  	_ =	swait.ge [sflag:s5], $0x1000  }
0x52: {  	[sflag:s5] =	ssyncset.done $0x0  }
0x53: {  	[sflag:s5] =	ssyncadd.s32 $0xFFFFF000  }
0x54: {  	_ =	swait.ge [sflag:s5], $0x1000  }
0x55: {  	[sflag:s5] =	ssyncset.done $0x0  }
0x56: {  	[sflag:s5] =	ssyncadd.s32 $0xFFFFF000  }
0x57: {  	_ =	swait.ge [sflag:s5], $0x1000  }
0x58: {  	[sflag:s5] =	ssyncset.done $0x0  }
0x59: {  	[sflag:s5] =	ssyncadd.s32 $0xFFFFF000  }
0x5a: {  	_ =	swait.ge [sflag:s5], $0x1000  }
0x5b: {  	[sflag:s5] =	ssyncset.done $0x0  }
0x5c: {  	[sflag:s5] =	ssyncadd.s32 $0xFFFFF000  }
0x5d: {  	_ =	swait.ge [sflag:s5], $0x1000  }
0x5e: {  	[sflag:s5] =	ssyncset.done $0x0  }
0x5f: {  	[sflag:s5] =	ssyncadd.s32 $0xFFFFF000  }
0x60: {  	_ =	swait.ge [sflag:s5], $0x1000  }
0x61: {  	[sflag:s5] =	ssyncset.done $0x0  }
0x62: {  	[sflag:s5] =	ssyncadd.s32 $0xFFFFF000  }
0x63: {  	_ =	swait.ge [sflag:s5], $0x1000  }
0x64: {  	[sflag:s5] =	ssyncset.done $0x0  }
0x65: {  	[sflag:s5] =	ssyncadd.s32 $0xFFFFF000  }
0x66: {  	_ =	swait.ge [sflag:s5], $0x1000  }
0x67: {  	[sflag:s5] =	ssyncset.done $0x0  }
0x68: {  	[sflag:s5] =	ssyncadd.s32 $0xFFFFF000  }
0x69: {  	_ =	swait.ge [sflag:s5], $0x1000  }
0x6a: {  	p1 =	sne.s32 s8, $0x1;
	[sflag:s5] =	ssyncset.done $0x0  }
.Ltmp1:
0x6b: {  	[sflag:s5] =	ssyncadd.s32 $0xFFFFF000;
	(pc) =	sbr.rel @!p1 .LBB2_3-.Ltmp1, $4  }
0x6c: {  	_ =	swait.ge [sflag:s5], $0x1000  }
0x6d: {  	p0 =	por $0x1, $0x1;
	[sflag:s5] =	ssyncset.done $0x0  }
0x6e: {  	s1 =	sadd.s32 $0xFFFFFFFF, s8;
	s10 =	rddreg [dreg:$0x4];
	[sflag:s5] =	ssyncadd.s32 $0xFFFFF000  }
0x6f: {  	[hbm4b:s10+s2] =	stream.linear.scatter [tilespmem:s4], [sflag:$0x2], $0x10000, $0x38;
	[tilespmem:$0x10800] =	vst v63  }
.LBB2_2:
0x70: {  	_ =	swait.ge [sflag:s3], $0x10000  }
0x71: {  	[sflag:s3] =	ssyncset.done $0x0  }
0x72: {  	s0 =	rddreg [dreg:$0x3];
	[sflag:s3] =	ssyncadd.s32 $0xFFFF0000  }
0x73: {  	[tilespmem:s2], [sflag:$0x2] =	stream.linear.gather [hbm4b:s0+s2], $0x800, $0x38;
	[tilespmem:$0x10800] =	vst v63  }
0x74: {  	_ =	swait.ge [sflag:s3], $0x800  }
0x75: {  	s0 =	rddreg [dreg:$0x6];
	[sflag:s3] =	ssyncset.done $0x0  }
0x76: {  	s8 =	rddreg [dreg:$0x5];
	[sflag:s3] =	ssyncadd.s32 $0xFFFFF800  }
0x77: {  	[tilespmem:s4], [sflag:$0x1] =	stream.indirect.gather [hbm4b:s6+s7], $0x20, s2, s7, $0xb8;
	[tilespmem:$0x10800] =	vst v63  }
0x78: {  	s9 =	rddreg [dreg:$0x7]  }
0x79: {  	[tilespmem:s8], [sflag:$0x1] =	stream.indirect.gather [hbm4b:s6+s7], $0x20, s7, s7, $0xb8;
	[tilespmem:$0x10800] =	vst v63  }
0x7a: {  	s10 =	rddreg [dreg:$0x9]  }
0x7b: {  	[tilespmem:s9], [sflag:$0x1] =	stream.indirect.gather [hbm4b:s6+s7], $0x20, s0, s7, $0xb8;
	[tilespmem:$0x10800] =	vst v63  }
0x7c: {  	s8 =	rddreg [dreg:$0x8]  }
0x7d: {  	[tilespmem:s10], [sflag:$0x1] =	stream.indirect.gather [hbm4b:s6+s7], $0x20, s8, s7, $0xb8;
	[tilespmem:$0x10800] =	vst v63  }
0x7e: {  	s0 =	rddreg [dreg:$0xa];
	s8 =	simm.s32 $0x4800  }
0x7f: {  	[tilespmem:s8], [sflag:$0x1] =	stream.indirect.gather [hbm4b:s6+s7], $0x20, s0, s7, $0xb8;
	[tilespmem:$0x10800] =	vst v63  }
0x80: {  	s9 =	simm.s32 $0x280;
	s10 =	simm.s32 $0x5800  }
0x81: {  	[tilespmem:s10], [sflag:$0x1] =	stream.indirect.gather [hbm4b:s6+s7], $0x20, s9, s7, $0xb8;
	[tilespmem:$0x10800] =	vst v63  }
0x82: {  	_ = 	snop  }
0x83: {  	[tilespmem:s12], [sflag:$0x1] =	stream.indirect.gather [hbm4b:s6+s7], $0x20, s11, s7, $0xb8;
	[tilespmem:$0x10800] =	vst v63  }
0x84: {  	_ = 	snop  }
0x85: {  	[tilespmem:s14], [sflag:$0x1] =	stream.indirect.gather [hbm4b:s6+s7], $0x20, s13, s7, $0xb8;
	[tilespmem:$0x10800] =	vst v63  }
0x86: {  	_ = 	snop  }
0x87: {  	[tilespmem:s16], [sflag:$0x1] =	stream.indirect.gather [hbm4b:s6+s7], $0x20, s15, s7, $0xb8;
	[tilespmem:$0x10800] =	vst v63  }
0x88: {  	_ = 	snop  }
0x89: {  	[tilespmem:s18], [sflag:$0x1] =	stream.indirect.gather [hbm4b:s6+s7], $0x20, s17, s7, $0xb8;
	[tilespmem:$0x10800] =	vst v63  }
0x8a: {  	_ = 	snop  }
0x8b: {  	[tilespmem:s20], [sflag:$0x1] =	stream.indirect.gather [hbm4b:s6+s7], $0x20, s19, s7, $0xb8;
	[tilespmem:$0x10800] =	vst v63  }
0x8c: {  	_ = 	snop  }
0x8d: {  	[tilespmem:s22], [sflag:$0x1] =	stream.indirect.gather [hbm4b:s6+s7], $0x20, s21, s7, $0xb8;
	[tilespmem:$0x10800] =	vst v63  }
0x8e: {  	_ = 	snop  }
0x8f: {  	[tilespmem:s24], [sflag:$0x1] =	stream.indirect.gather [hbm4b:s6+s7], $0x20, s23, s7, $0xb8;
	[tilespmem:$0x10800] =	vst v63  }
0x90: {  	_ = 	snop  }
0x91: {  	[tilespmem:s26], [sflag:$0x1] =	stream.indirect.gather [hbm4b:s6+s7], $0x20, s25, s7, $0xb8;
	[tilespmem:$0x10800] =	vst v63  }
0x92: {  	_ = 	snop  }
0x93: {  	[tilespmem:s29], [sflag:$0x1] =	stream.indirect.gather [hbm4b:s6+s7], $0x20, s28, s7, $0xb8;
	[tilespmem:$0x10800] =	vst v63  }
0x94: {  	_ = 	snop  }
0x95: {  	[tilespmem:s31], [sflag:$0x1] =	stream.indirect.gather [hbm4b:s6+s7], $0x20, s30, s7, $0xb8;
	[tilespmem:$0x10800] =	vst v63  }
0x96: {  	_ =	swait.ge [sflag:s5], $0x1000  }
0x97: {  	[sflag:s5] =	ssyncset.done $0x0  }
0x98: {  	[sflag:s5] =	ssyncadd.s32 $0xFFFFF000  }
0x99: {  	_ =	swait.ge [sflag:s5], $0x1000  }
0x9a: {  	[sflag:s5] =	ssyncset.done $0x0  }
0x9b: {  	[sflag:s5] =	ssyncadd.s32 $0xFFFFF000  }
0x9c: {  	_ =	swait.ge [sflag:s5], $0x1000  }
0x9d: {  	[sflag:s5] =	ssyncset.done $0x0  }
0x9e: {  	[sflag:s5] =	ssyncadd.s32 $0xFFFFF000  }
0x9f: {  	_ =	swait.ge [sflag:s5], $0x1000  }
0xa0: {  	[sflag:s5] =	ssyncset.done $0x0  }
0xa1: {  	[sflag:s5] =	ssyncadd.s32 $0xFFFFF000  }
0xa2: {  	_ =	swait.ge [sflag:s5], $0x1000  }
0xa3: {  	[sflag:s5] =	ssyncset.done $0x0  }
0xa4: {  	[sflag:s5] =	ssyncadd.s32 $0xFFFFF000  }
0xa5: {  	_ =	swait.ge [sflag:s5], $0x1000  }
0xa6: {  	[sflag:s5] =	ssyncset.done $0x0  }
0xa7: {  	[sflag:s5] =	ssyncadd.s32 $0xFFFFF000  }
0xa8: {  	_ =	swait.ge [sflag:s5], $0x1000  }
0xa9: {  	[sflag:s5] =	ssyncset.done $0x0  }
0xaa: {  	[sflag:s5] =	ssyncadd.s32 $0xFFFFF000  }
0xab: {  	_ =	swait.ge [sflag:s5], $0x1000  }
0xac: {  	[sflag:s5] =	ssyncset.done $0x0  }
0xad: {  	[sflag:s5] =	ssyncadd.s32 $0xFFFFF000  }
0xae: {  	_ =	swait.ge [sflag:s5], $0x1000  }
0xaf: {  	[sflag:s5] =	ssyncset.done $0x0  }
0xb0: {  	[sflag:s5] =	ssyncadd.s32 $0xFFFFF000  }
0xb1: {  	_ =	swait.ge [sflag:s5], $0x1000  }
0xb2: {  	[sflag:s5] =	ssyncset.done $0x0  }
0xb3: {  	[sflag:s5] =	ssyncadd.s32 $0xFFFFF000  }
0xb4: {  	_ =	swait.ge [sflag:s5], $0x1000  }
0xb5: {  	[sflag:s5] =	ssyncset.done $0x0  }
0xb6: {  	[sflag:s5] =	ssyncadd.s32 $0xFFFFF000  }
0xb7: {  	_ =	swait.ge [sflag:s5], $0x1000  }
0xb8: {  	[sflag:s5] =	ssyncset.done $0x0  }
0xb9: {  	[sflag:s5] =	ssyncadd.s32 $0xFFFFF000  }
0xba: {  	_ =	swait.ge [sflag:s5], $0x1000  }
0xbb: {  	[sflag:s5] =	ssyncset.done $0x0  }
0xbc: {  	[sflag:s5] =	ssyncadd.s32 $0xFFFFF000  }
0xbd: {  	_ =	swait.ge [sflag:s5], $0x1000  }
0xbe: {  	[sflag:s5] =	ssyncset.done $0x0  }
0xbf: {  	[sflag:s5] =	ssyncadd.s32 $0xFFFFF000  }
0xc0: {  	_ =	swait.ge [sflag:s5], $0x1000  }
0xc1: {  	p1 =	sne.s32 s1, $0x1;
	[sflag:s5] =	ssyncset.done $0x0  }
.Ltmp2:
0xc2: {  	[sflag:s5] =	ssyncadd.s32 $0xFFFFF000;
	(pc) =	sbr.rel @p1 .LBB2_2-.Ltmp2, $4  }
0xc3: {  	_ =	swait.ge [sflag:s5], $0x1000  }
0xc4: {  	[sflag:s5] =	ssyncset.done $0x0  }
0xc5: {  	s1 =	sadd.s32 $0xFFFFFFFF, s1;
	s10 =	rddreg [dreg:$0x4];
	[sflag:s5] =	ssyncadd.s32 $0xFFFFF000  }
0xc6: {  	[hbm4b:s10+s2] =	stream.linear.scatter [tilespmem:s4], [sflag:$0x2], $0x10000, $0x38;
	[tilespmem:$0x10800] =	vst v63  }
.LBB2_3:
0xc7: {  	_ =	swait.ge @p0 [sflag:s3], $0x10000  }
0xc8: {  	[sflag:s3] =	ssyncset.done @p0 $0x0  }
0xc9: {  	s0 =	rddreg [dreg:$0x3];
	[sflag:s3] =	ssyncadd.s32 @p0 $0xFFFF0000  }
0xca: {  	[tilespmem:s2], [sflag:$0x2] =	stream.linear.gather [hbm4b:s0+s2], $0x800, $0x38;
	[tilespmem:$0x10800] =	vst v63  }
0xcb: {  	_ =	swait.ge [sflag:s3], $0x800  }
0xcc: {  	[sflag:s3] =	ssyncset.done $0x0;
	s10 =	rddreg [dreg:$0x5]  }
0xcd: {  	s0 =	rddreg [dreg:$0x6];
	[sflag:s3] =	ssyncadd.s32 $0xFFFFF800  }
0xce: {  	[tilespmem:s4], [sflag:$0x1] =	stream.indirect.gather [hbm4b:s6+s7], $0x20, s2, s7, $0xb8;
	[tilespmem:$0x10800] =	vst v63  }
0xcf: {  	s1 =	rddreg [dreg:$0x7]  }
0xd0: {  	[tilespmem:s10], [sflag:$0x1] =	stream.indirect.gather [hbm4b:s6+s7], $0x20, s7, s7, $0xb8;
	[tilespmem:$0x10800] =	vst v63  }
0xd1: {  	s8 =	rddreg [dreg:$0x9]  }
0xd2: {  	[tilespmem:s1], [sflag:$0x1] =	stream.indirect.gather [hbm4b:s6+s7], $0x20, s0, s7, $0xb8;
	[tilespmem:$0x10800] =	vst v63  }
0xd3: {  	s9 =	rddreg [dreg:$0x8]  }
0xd4: {  	[tilespmem:s8], [sflag:$0x1] =	stream.indirect.gather [hbm4b:s6+s7], $0x20, s9, s7, $0xb8;
	[tilespmem:$0x10800] =	vst v63  }
0xd5: {  	s10 =	simm.s32 $0x4800;
	s1 =	rddreg [dreg:$0xa]  }
0xd6: {  	[tilespmem:s10], [sflag:$0x1] =	stream.indirect.gather [hbm4b:s6+s7], $0x20, s1, s7, $0xb8;
	[tilespmem:$0x10800] =	vst v63  }
0xd7: {  	s9 =	simm.s32 $0x5800;
	s10 =	simm.s32 $0x280  }
0xd8: {  	[tilespmem:s9], [sflag:$0x1] =	stream.indirect.gather [hbm4b:s6+s7], $0x20, s10, s7, $0xb8;
	[tilespmem:$0x10800] =	vst v63  }
0xd9: {  	_ = 	snop  }
0xda: {  	[tilespmem:s12], [sflag:$0x1] =	stream.indirect.gather [hbm4b:s6+s7], $0x20, s11, s7, $0xb8;
	[tilespmem:$0x10800] =	vst v63  }
0xdb: {  	_ = 	snop  }
0xdc: {  	[tilespmem:s14], [sflag:$0x1] =	stream.indirect.gather [hbm4b:s6+s7], $0x20, s13, s7, $0xb8;
	[tilespmem:$0x10800] =	vst v63  }
0xdd: {  	_ = 	snop  }
0xde: {  	[tilespmem:s16], [sflag:$0x1] =	stream.indirect.gather [hbm4b:s6+s7], $0x20, s15, s7, $0xb8;
	[tilespmem:$0x10800] =	vst v63  }
0xdf: {  	_ = 	snop  }
0xe0: {  	[tilespmem:s18], [sflag:$0x1] =	stream.indirect.gather [hbm4b:s6+s7], $0x20, s17, s7, $0xb8;
	[tilespmem:$0x10800] =	vst v63  }
0xe1: {  	_ = 	snop  }
0xe2: {  	[tilespmem:s20], [sflag:$0x1] =	stream.indirect.gather [hbm4b:s6+s7], $0x20, s19, s7, $0xb8;
	[tilespmem:$0x10800] =	vst v63  }
0xe3: {  	_ = 	snop  }
0xe4: {  	[tilespmem:s22], [sflag:$0x1] =	stream.indirect.gather [hbm4b:s6+s7], $0x20, s21, s7, $0xb8;
	[tilespmem:$0x10800] =	vst v63  }
0xe5: {  	_ = 	snop  }
0xe6: {  	[tilespmem:s24], [sflag:$0x1] =	stream.indirect.gather [hbm4b:s6+s7], $0x20, s23, s7, $0xb8;
	[tilespmem:$0x10800] =	vst v63  }
0xe7: {  	_ = 	snop  }
0xe8: {  	[tilespmem:s26], [sflag:$0x1] =	stream.indirect.gather [hbm4b:s6+s7], $0x20, s25, s7, $0xb8;
	[tilespmem:$0x10800] =	vst v63  }
0xe9: {  	_ = 	snop  }
0xea: {  	[tilespmem:s29], [sflag:$0x1] =	stream.indirect.gather [hbm4b:s6+s7], $0x20, s28, s7, $0xb8;
	[tilespmem:$0x10800] =	vst v63  }
0xeb: {  	_ = 	snop  }
0xec: {  	[tilespmem:s31], [sflag:$0x1] =	stream.indirect.gather [hbm4b:s6+s7], $0x20, s30, s7, $0xb8;
	[tilespmem:$0x10800] =	vst v63  }
0xed: {  	_ =	swait.ge [sflag:s5], $0x1000  }
0xee: {  	[sflag:s5] =	ssyncset.done $0x0  }
0xef: {  	[sflag:s5] =	ssyncadd.s32 $0xFFFFF000  }
0xf0: {  	_ =	swait.ge [sflag:s5], $0x1000  }
0xf1: {  	[sflag:s5] =	ssyncset.done $0x0  }
0xf2: {  	[sflag:s5] =	ssyncadd.s32 $0xFFFFF000  }
0xf3: {  	_ =	swait.ge [sflag:s5], $0x1000  }
0xf4: {  	[sflag:s5] =	ssyncset.done $0x0  }
0xf5: {  	[sflag:s5] =	ssyncadd.s32 $0xFFFFF000  }
0xf6: {  	_ =	swait.ge [sflag:s5], $0x1000  }
0xf7: {  	[sflag:s5] =	ssyncset.done $0x0  }
0xf8: {  	[sflag:s5] =	ssyncadd.s32 $0xFFFFF000  }
0xf9: {  	_ =	swait.ge [sflag:s5], $0x1000  }
0xfa: {  	[sflag:s5] =	ssyncset.done $0x0  }
0xfb: {  	[sflag:s5] =	ssyncadd.s32 $0xFFFFF000  }
0xfc: {  	_ =	swait.ge [sflag:s5], $0x1000  }
0xfd: {  	[sflag:s5] =	ssyncset.done $0x0  }
0xfe: {  	[sflag:s5] =	ssyncadd.s32 $0xFFFFF000  }
0xff: {  	_ =	swait.ge [sflag:s5], $0x1000  }
0x100: {  	[sflag:s5] =	ssyncset.done $0x0  }
0x101: {  	[sflag:s5] =	ssyncadd.s32 $0xFFFFF000  }
0x102: {  	_ =	swait.ge [sflag:s5], $0x1000  }
0x103: {  	[sflag:s5] =	ssyncset.done $0x0  }
0x104: {  	[sflag:s5] =	ssyncadd.s32 $0xFFFFF000  }
0x105: {  	_ =	swait.ge [sflag:s5], $0x1000  }
0x106: {  	[sflag:s5] =	ssyncset.done $0x0  }
0x107: {  	[sflag:s5] =	ssyncadd.s32 $0xFFFFF000  }
0x108: {  	_ =	swait.ge [sflag:s5], $0x1000  }
0x109: {  	[sflag:s5] =	ssyncset.done $0x0  }
0x10a: {  	[sflag:s5] =	ssyncadd.s32 $0xFFFFF000  }
0x10b: {  	_ =	swait.ge [sflag:s5], $0x1000  }
0x10c: {  	[sflag:s5] =	ssyncset.done $0x0  }
0x10d: {  	[sflag:s5] =	ssyncadd.s32 $0xFFFFF000  }
0x10e: {  	_ =	swait.ge [sflag:s5], $0x1000  }
0x10f: {  	[sflag:s5] =	ssyncset.done $0x0  }
0x110: {  	[sflag:s5] =	ssyncadd.s32 $0xFFFFF000  }
0x111: {  	_ =	swait.ge [sflag:s5], $0x1000  }
0x112: {  	[sflag:s5] =	ssyncset.done $0x0  }
0x113: {  	[sflag:s5] =	ssyncadd.s32 $0xFFFFF000  }
0x114: {  	_ =	swait.ge [sflag:s5], $0x1000  }
0x115: {  	[sflag:s5] =	ssyncset.done $0x0  }
0x116: {  	[sflag:s5] =	ssyncadd.s32 $0xFFFFF000  }
0x117: {  	_ =	swait.ge [sflag:s5], $0x1000  }
0x118: {  	[sflag:s5] =	ssyncset.done $0x0  }
0x119: {  	[sflag:s5] =	ssyncadd.s32 $0xFFFFF000  }
0x11a: {  	_ =	swait.ge [sflag:s5], $0x1000  }
0x11b: {  	[sflag:s5] =	ssyncset.done $0x0  }
0x11c: {  	s30 =	rddreg [dreg:$0x4];
	[sflag:s5] =	ssyncadd.s32 $0xFFFFF000  }
0x11d: {  	[hbm4b:s30+s2] =	stream.linear.scatter [tilespmem:s4], [sflag:$0x2], $0x10000, $0x38;
	[tilespmem:$0x10800] =	vst v63  }
0x11e: {  	_ =	swait.ge [sflag:s3], $0x10000  }
0x11f: {  	[sflag:s3] =	ssyncset.done $0x0  }
0x120: {  	[sflag:s3] =	ssyncadd.s32 $0xFFFF0000  }
0x121: {  	_ =	sfence.sel $0x180000  }
0x122: {  	[bflag:$0x0] =	sbarrier.arrive $0xFFFF  }
0x123: {  	_ =	strace $0x90000047  }
0x124: {  	s31 =	stileid.u32;
	[bflag:$0x2] =	sbarrier.arrive $0xFFFF  }
0x125: {  	p0 =	sne.s32 s31, $0x0;
	s0 =	rddreg [dreg:$0x2]  }
0x126: {  	s0 =	sadd.s32 @!p0 $0x100000, s0  }
0x127: {  	[sflag:s0] =	ssyncadd.tile.s32 @!p0 $0x1;
	_ =	shalt  }
.Lfunc_end2:
_tile_overlayer_lowered:
.L_overlay_start_2:
0x128: {  	(tag) =	ssettag $0x2  }
0x129: {  	s0 =	rddreg [dreg:$0x0];
	s2 =	stileid.u32  }
0x12a: {  	s1 =	rddreg [dreg:$0x1];
	p0 =	sne.s32 s2, $0x0  }
0x12b: {  	s3 =	rddreg [dreg:$0x2];
	[bflag:$0x3] =	sbarrier.arrive $0xFFFF;
	s2 =	simm.s32 @!p0 $0x1C02  }
0x12c: {  	[timem:s3], [sflag:s2] =	dma.local @!p0 [hbm:s0], s1  }
0x12d: {  	s0 =	simm.s32 @!p0 $0x2  }
0x12e: {  	_ =	swait.ge @!p0 [sflag:s0], s1  }
0x12f: {  	s1 =	ssub.s32 @!p0 $0x0, s1;
	[sflag:s0] =	ssyncset.done @!p0 $0x0  }
0x130: {  	[sflag:s0] =	ssyncadd.s32 @!p0 s1  }
0x131: {  	[bflag:$0x3] =	sbarrier.arrive $0xFFFF  }
0x132: {  	_ =	shalt  }

</sc_bundles>
